<compile_context>
chip_gen: v7x
topology: tpu7x:2x2x1
jax: 0.10.2.dev20260603
libtpu: 0.0.44.dev20260713+nightly
codegen_flags: <defaults>
</compile_context>

<pallas_src>
import jax
import jax.numpy as jnp
from jax import lax
from jax.experimental import pallas as pl
from jax.experimental.pallas import tpu as pltpu
from jax.experimental.pallas import tpu_sc as plsc

_D = 128
_NC = 2
_NS = 16
_NW = _NC * _NS
_CH = 128
_NBUF = 5


def _emb_body(idx_hbm, w_hbm, out_hbm, idx_v, rows_v, gsem, ssem):
    nch = idx_v.shape[0]
    ng = nch // _NBUF
    wid = lax.axis_index("s") * _NC + lax.axis_index("c")
    pltpu.sync_copy(idx_hbm.at[wid], idx_v)
    base = wid * (nch * _CH)

    def gather(j, b):
        pltpu.async_copy(w_hbm.at[idx_v.at[j]], rows_v.at[b], gsem.at[b])

    def wait_gather(b):
        pltpu.make_async_copy(w_hbm.at[idx_v.at[0]], rows_v.at[b],
                              gsem.at[b]).wait()

    def store(j, b):
        pltpu.async_copy(rows_v.at[b], out_hbm.at[pl.ds(base + j * _CH, _CH)],
                         ssem.at[b])

    def wait_store(b):
        pltpu.make_async_copy(rows_v.at[b],
                              out_hbm.at[pl.ds(base, _CH)], ssem.at[b]).wait()

    gather(0, 0)

    def outer(g, carry):
        for b in range(_NBUF):
            j = g * _NBUF + b
            bp = (b - 1) % _NBUF
            bn = (b + 1) % _NBUF

            if b == _NBUF - 1:
                def do_gather(jn=j + 1, bn=bn):
                    wait_store(bn)
                    gather(jn, bn)

                pl.when(g < ng - 1)(do_gather)
            else:
                def do_wait_store(bn=bn):
                    wait_store(bn)

                pl.when(g > 0)(do_wait_store)
                gather(j + 1, bn)

            def do_store(jp=j - 1, bp=bp):
                wait_gather(bp)
                store(jp, bp)

            if b == 0:
                pl.when(g > 0)(do_store)
            else:
                do_store()

        return carry

    lax.fori_loop(0, ng, outer, 0)
    wait_gather((nch - 1) % _NBUF)
    store(nch - 1, (nch - 1) % _NBUF)
    for b in range(_NBUF):
        wait_store(b)


@jax.jit
def _emb(idx3, w):
    nch = idx3.shape[1]
    nrows = _NW * nch * _CH
    mesh = plsc.VectorSubcoreMesh(core_axis_name="c", subcore_axis_name="s")
    f = pl.kernel(
        _emb_body,
        out_type=jax.ShapeDtypeStruct((nrows, _D), jnp.float32),
        mesh=mesh,
        scratch_types=[
            pltpu.VMEM((nch, _CH), jnp.int32),
            pltpu.VMEM((_NBUF, _CH, _D), jnp.float32),
            pltpu.SemaphoreType.DMA((_NBUF,)),
            pltpu.SemaphoreType.DMA((_NBUF,)),
        ],
    )
    return f(idx3, w)


def kernel(idx, W):
    b, h = idx.shape
    n = b * h
    idx_t = jnp.transpose(idx.astype(jnp.int32))
    idx3 = idx_t.reshape(_NW, n // (_NW * _CH), _CH)
    out = _emb(idx3, W)
    return jnp.transpose(out.reshape(h, b, _D), (1, 0, 2))

# --- scband reference (transcript-rebuilt; emitter-appended) ---
"""Pipeline reference for scband-word-embedding-45329084842064 (READ-ONLY COPY).

The authoritative reference and input builder live on the scoring server;
editing this copy changes nothing except your own understanding.
"""

import jax, jax.numpy as jnp
import numpy as np

VOCAB_SIZE = 100000
EMBED_SIZE = 128
PADDING_IDX = 0
BATCH = 4096
HIST_LEN = 50


def setup_inputs(seed: int = 0) -> dict:
    key = jax.random.key(seed)
    k_idx, k_w = jax.random.split(key)
    idx = jax.random.randint(k_idx, (BATCH, HIST_LEN), 0, VOCAB_SIZE, dtype=jnp.int64 if jax.config.jax_enable_x64 else jnp.int32)
    # Embedding weight initialized uniform(-0.5/embed_size, 0.5/embed_size), padding row zeroed
    bound = 0.5 / EMBED_SIZE
    W = jax.random.uniform(k_w, (VOCAB_SIZE, EMBED_SIZE), minval=-bound, maxval=bound, dtype=jnp.float32)
    W = W.at[PADDING_IDX].set(0.0)
    return {"idx": idx, "W": W}


def reference(idx, W):
    # WordEmbedding.forward -> forward_vec -> idx2vec(idx) : a plain embedding gather
    return jnp.take(W, idx, axis=0)

if __name__ == "__main__":
    import jax
    _d = setup_inputs()
    print(jax.jit(kernel)(*tuple(_d.values())))

</pallas_src>

<mosaic_0001>
#map = affine_map<(d0, d1) -> (0, 0, 0)>
#map1 = affine_map<(d0, d1) -> (0, 0)>
module attributes {stable_mosaic.version = 14 : i64} {
  func.func @_emb_body(%arg0: i32, %arg1: i32, %arg2: memref<32x50x128xi32, #tpu.memory_space<hbm>>, %arg3: memref<100000x128xf32, #tpu.memory_space<hbm>>, %arg4: memref<204800x128xf32, #tpu.memory_space<hbm>>, %arg5: memref<50x128xi32, #tpu.memory_space<vmem>>, %arg6: memref<5x128x128xf32, #tpu.memory_space<vmem>>, %arg7: memref<5x!tpu.dma_semaphore, #tpu.memory_space<semaphore_mem>>, %arg8: memref<5x!tpu.dma_semaphore, #tpu.memory_space<semaphore_mem>>) attributes {dimension_semantics = [#tpu.dimension_semantics<core_parallel>, #tpu.dimension_semantics<subcore_parallel>], iteration_bounds = array<i64: 2, 16>, scalar_prefetch = 0 : i64, scratch_operands = 4 : i64, tpu.core_type = #tpu.core_type<sc_vector_subcore>, window_params = [{transform_indices = #map}, {transform_indices = #map1}, {transform_indices = #map1}]} {
    %mul3A = arith.constant 2 : i32
    %mul3A_0 = arith.muli %arg1, %mul3A : i32
    %add3A = arith.addi %mul3A_0, %arg0 : i32
    "tpu.region"() ({
      %run_scoped3A = tpu.sem_alloc : memref<!tpu.dma_semaphore, #tpu.memory_space<semaphore_mem>>
      %dma_start3A_134 = arith.constant 0 : i32
      %dma_start3A_135 = arith.constant 0 : i32
      %dma_start3A_136 = tpu.memref_slice %arg2[%add3A, %dma_start3A_134, %dma_start3A_135] : memref<32x50x128xi32, #tpu.memory_space<hbm>> -> memref<1x50x128xi32, #tpu.memory_space<hbm>>
      %dma_start3A_137 = tpu.memref_squeeze %dma_start3A_136 : memref<1x50x128xi32, #tpu.memory_space<hbm>> -> memref<50x128xi32, #tpu.memory_space<hbm>>
      %dma_start3A_138 = arith.constant 0 : i32
      %dma_start3A_139 = arith.constant 0 : i32
      %dma_start3A_140 = tpu.memref_slice %arg2[%add3A, %dma_start3A_138, %dma_start3A_139] : memref<32x50x128xi32, #tpu.memory_space<hbm>> -> memref<1x50x128xi32, #tpu.memory_space<hbm>>
      %dma_start3A_141 = tpu.memref_squeeze %dma_start3A_140 : memref<1x50x128xi32, #tpu.memory_space<hbm>> -> memref<50x128xi32, #tpu.memory_space<hbm>>
      tpu.enqueue_dma source(%dma_start3A_141 : memref<50x128xi32, #tpu.memory_space<hbm>>) target(%arg5 : memref<50x128xi32, #tpu.memory_space<vmem>>) target_semaphore(%run_scoped3A : memref<!tpu.dma_semaphore, #tpu.memory_space<semaphore_mem>>)
      %dma_wait3A_142 = arith.constant 0 : i32
      %dma_wait3A_143 = arith.constant 0 : i32
      %dma_wait3A_144 = tpu.memref_slice %arg2[%add3A, %dma_wait3A_142, %dma_wait3A_143] : memref<32x50x128xi32, #tpu.memory_space<hbm>> -> memref<1x50x128xi32, #tpu.memory_space<hbm>>
      %dma_wait3A_145 = tpu.memref_squeeze %dma_wait3A_144 : memref<1x50x128xi32, #tpu.memory_space<hbm>> -> memref<50x128xi32, #tpu.memory_space<hbm>>
      %dma_wait3A_146 = arith.constant 0 : i32
      %dma_wait3A_147 = arith.constant 0 : i32
      %dma_wait3A_148 = tpu.memref_slice %arg2[%add3A, %dma_wait3A_146, %dma_wait3A_147] : memref<32x50x128xi32, #tpu.memory_space<hbm>> -> memref<1x50x128xi32, #tpu.memory_space<hbm>>
      %dma_wait3A_149 = tpu.memref_squeeze %dma_wait3A_148 : memref<1x50x128xi32, #tpu.memory_space<hbm>> -> memref<50x128xi32, #tpu.memory_space<hbm>>
      tpu.wait_dma2 semaphore(%run_scoped3A : memref<!tpu.dma_semaphore, #tpu.memory_space<semaphore_mem>>) src(%dma_wait3A_149 : memref<50x128xi32, #tpu.memory_space<hbm>>) dst(%arg5 : memref<50x128xi32, #tpu.memory_space<vmem>>)
      tpu.yield
    }) : () -> ()
    %mul3A_1 = arith.constant 6400 : i32
    %mul3A_2 = arith.muli %add3A, %mul3A_1 : i32
    %dma_start3A = arith.constant 0 : i32
    %dma_start3A_3 = arith.constant 0 : i32
    %dma_start3A_4 = arith.constant 0 : i32
    %dma_start3A_5 = arith.constant 0 : i32
    %dma_start3A_6 = arith.constant 0 : i32
    %dma_start3A_7 = tpu.memref_slice %arg6[%dma_start3A_3, %dma_start3A_5, %dma_start3A_6] : memref<5x128x128xf32, #tpu.memory_space<vmem>> -> memref<1x128x128xf32, #tpu.memory_space<vmem>>
    %dma_start3A_8 = tpu.memref_squeeze %dma_start3A_7 : memref<1x128x128xf32, #tpu.memory_space<vmem>> -> memref<128x128xf32, #tpu.memory_space<vmem>>
    %dma_start3A_9 = arith.constant 0 : i32
    %dma_start3A_10 = tpu.memref_slice %arg5[%dma_start3A, %dma_start3A_9] : memref<50x128xi32, #tpu.memory_space<vmem>> -> memref<1x128xi32, #tpu.memory_space<vmem>>
    %dma_start3A_11 = tpu.memref_squeeze %dma_start3A_10 : memref<1x128xi32, #tpu.memory_space<vmem>> -> memref<128xi32, #tpu.memory_space<vmem>>
    %dma_start3A_12 = arith.constant 0 : i32
    %dma_start3A_13 = arith.constant 0 : i32
    %dma_start3A_14 = tpu.memref_slice %arg3[%dma_start3A_12, %dma_start3A_13] : memref<100000x128xf32, #tpu.memory_space<hbm>> -> memref<100000x128xf32, #tpu.memory_space<hbm>>
    %dma_start3A_15 = tpu.memref_slice %arg7[%dma_start3A_4] : memref<5x!tpu.dma_semaphore, #tpu.memory_space<semaphore_mem>> -> memref<1x!tpu.dma_semaphore, #tpu.memory_space<semaphore_mem>>
    %dma_start3A_16 = tpu.memref_squeeze %dma_start3A_15 : memref<1x!tpu.dma_semaphore, #tpu.memory_space<semaphore_mem>> -> memref<!tpu.dma_semaphore, #tpu.memory_space<semaphore_mem>>
    tpu.enqueue_indirect_dma source(%dma_start3A_14 : memref<100000x128xf32, #tpu.memory_space<hbm>>) target(%dma_start3A_8 : memref<128x128xf32, #tpu.memory_space<vmem>>) offsets(%dma_start3A_11 : memref<128xi32, #tpu.memory_space<vmem>>) semaphore(%dma_start3A_16 : memref<!tpu.dma_semaphore, #tpu.memory_space<semaphore_mem>>)
    %scan3A = arith.constant 0 : i32
    %scan3A_17 = arith.constant 0 : i32
    %scan3A_18 = arith.constant 10 : i32
    %scan3A_19 = arith.addi %scan3A_17, %scan3A_18 : i32
    %scan3A_20 = arith.constant 1 : i32
    scf.for %scan3A_134 = %scan3A_17 to %scan3A_19 step %scan3A_20  : i32 {
      %mul3A_135 = arith.constant 5 : i32
      %mul3A_136 = arith.muli %scan3A_134, %mul3A_135 : i32
      %add3A_137 = arith.constant 0 : i32
      %add3A_138 = arith.addi %mul3A_136, %add3A_137 : i32
      %gt3A = arith.constant 0 : i32
      %gt3A_139 = arith.cmpi sgt, %scan3A_134, %gt3A : i32
      %convert_element_type3A = arith.extui %gt3A_139 : i1 to i32
      %cond3A = arith.constant 0 : i32
      %cond3A_140 = arith.cmpi ne, %convert_element_type3A, %cond3A : i32
      scf.if %cond3A_140 {
        %dma_wait3A_392 = arith.constant 1 : i32
        %dma_wait3A_393 = arith.constant 1 : i32
        %dma_wait3A_394 = arith.constant 0 : i32
        %dma_wait3A_395 = arith.constant 0 : i32
        %dma_wait3A_396 = tpu.memref_slice %arg6[%dma_wait3A_392, %dma_wait3A_394, %dma_wait3A_395] : memref<5x128x128xf32, #tpu.memory_space<vmem>> -> memref<1x128x128xf32, #tpu.memory_space<vmem>>
        %dma_wait3A_397 = tpu.memref_squeeze %dma_wait3A_396 : memref<1x128x128xf32, #tpu.memory_space<vmem>> -> memref<128x128xf32, #tpu.memory_space<vmem>>
        %dma_wait3A_398 = arith.constant 0 : i32
        %dma_wait3A_399 = tpu.memref_slice %arg4[%mul3A_2, %dma_wait3A_398] : memref<204800x128xf32, #tpu.memory_space<hbm>> -> memref<128x128xf32, #tpu.memory_space<hbm>>
        %dma_wait3A_400 = tpu.memref_slice %arg8[%dma_wait3A_393] : memref<5x!tpu.dma_semaphore, #tpu.memory_space<semaphore_mem>> -> memref<1x!tpu.dma_semaphore, #tpu.memory_space<semaphore_mem>>
        %dma_wait3A_401 = tpu.memref_squeeze %dma_wait3A_400 : memref<1x!tpu.dma_semaphore, #tpu.memory_space<semaphore_mem>> -> memref<!tpu.dma_semaphore, #tpu.memory_space<semaphore_mem>>
        %dma_wait3A_402 = arith.constant 0 : i32
        %dma_wait3A_403 = tpu.memref_slice %arg4[%mul3A_2, %dma_wait3A_402] : memref<204800x128xf32, #tpu.memory_space<hbm>> -> memref<128x128xf32, #tpu.memory_space<hbm>>
        %dma_wait3A_404 = arith.constant 0 : i32
        %dma_wait3A_405 = arith.constant 0 : i32
        %dma_wait3A_406 = tpu.memref_slice %arg6[%dma_wait3A_392, %dma_wait3A_404, %dma_wait3A_405] : memref<5x128x128xf32, #tpu.memory_space<vmem>> -> memref<1x128x128xf32, #tpu.memory_space<vmem>>
        %dma_wait3A_407 = tpu.memref_squeeze %dma_wait3A_406 : memref<1x128x128xf32, #tpu.memory_space<vmem>> -> memref<128x128xf32, #tpu.memory_space<vmem>>
        tpu.wait_dma2 semaphore(%dma_wait3A_401 : memref<!tpu.dma_semaphore, #tpu.memory_space<semaphore_mem>>) src(%dma_wait3A_407 : memref<128x128xf32, #tpu.memory_space<vmem>>) dst(%dma_wait3A_403 : memref<128x128xf32, #tpu.memory_space<hbm>>)
      } else {
      }
      %add3A_141 = arith.constant 1 : i32
      %add3A_142 = arith.addi %add3A_138, %add3A_141 : i32
      %dma_start3A_143 = arith.constant 1 : i32
      %dma_start3A_144 = arith.constant 1 : i32
      %dma_start3A_145 = arith.constant 0 : i32
      %dma_start3A_146 = arith.constant 0 : i32
      %dma_start3A_147 = tpu.memref_slice %arg6[%dma_start3A_143, %dma_start3A_145, %dma_start3A_146] : memref<5x128x128xf32, #tpu.memory_space<vmem>> -> memref<1x128x128xf32, #tpu.memory_space<vmem>>
      %dma_start3A_148 = tpu.memref_squeeze %dma_start3A_147 : memref<1x128x128xf32, #tpu.memory_space<vmem>> -> memref<128x128xf32, #tpu.memory_space<vmem>>
      %dma_start3A_149 = arith.constant 0 : i32
      %dma_start3A_150 = tpu.memref_slice %arg5[%add3A_142, %dma_start3A_149] : memref<50x128xi32, #tpu.memory_space<vmem>> -> memref<1x128xi32, #tpu.memory_space<vmem>>
      %dma_start3A_151 = tpu.memref_squeeze %dma_start3A_150 : memref<1x128xi32, #tpu.memory_space<vmem>> -> memref<128xi32, #tpu.memory_space<vmem>>
      %dma_start3A_152 = arith.constant 0 : i32
      %dma_start3A_153 = arith.constant 0 : i32
      %dma_start3A_154 = tpu.memref_slice %arg3[%dma_start3A_152, %dma_start3A_153] : memref<100000x128xf32, #tpu.memory_space<hbm>> -> memref<100000x128xf32, #tpu.memory_space<hbm>>
      %dma_start3A_155 = tpu.memref_slice %arg7[%dma_start3A_144] : memref<5x!tpu.dma_semaphore, #tpu.memory_space<semaphore_mem>> -> memref<1x!tpu.dma_semaphore, #tpu.memory_space<semaphore_mem>>
      %dma_start3A_156 = tpu.memref_squeeze %dma_start3A_155 : memref<1x!tpu.dma_semaphore, #tpu.memory_space<semaphore_mem>> -> memref<!tpu.dma_semaphore, #tpu.memory_space<semaphore_mem>>
      tpu.enqueue_indirect_dma source(%dma_start3A_154 : memref<100000x128xf32, #tpu.memory_space<hbm>>) target(%dma_start3A_148 : memref<128x128xf32, #tpu.memory_space<vmem>>) offsets(%dma_start3A_151 : memref<128xi32, #tpu.memory_space<vmem>>) semaphore(%dma_start3A_156 : memref<!tpu.dma_semaphore, #tpu.memory_space<semaphore_mem>>)
      %sub3A = arith.constant 1 : i32
      %sub3A_157 = arith.subi %add3A_138, %sub3A : i32
      %gt3A_158 = arith.constant 0 : i32
      %gt3A_159 = arith.cmpi sgt, %scan3A_134, %gt3A_158 : i32
      %convert_element_type3A_160 = arith.extui %gt3A_159 : i1 to i32
      %cond3A_161 = arith.constant 0 : i32
      %cond3A_162 = arith.cmpi ne, %convert_element_type3A_160, %cond3A_161 : i32
      scf.if %cond3A_162 {
        %dma_wait3A_392 = arith.constant 0 : i32
        %dma_wait3A_393 = arith.constant 4 : i32
        %dma_wait3A_394 = arith.constant 4 : i32
        %dma_wait3A_395 = arith.constant 0 : i32
        %dma_wait3A_396 = arith.constant 0 : i32
        %dma_wait3A_397 = tpu.memref_slice %arg6[%dma_wait3A_393, %dma_wait3A_395, %dma_wait3A_396] : memref<5x128x128xf32, #tpu.memory_space<vmem>> -> memref<1x128x128xf32, #tpu.memory_space<vmem>>
        %dma_wait3A_398 = tpu.memref_squeeze %dma_wait3A_397 : memref<1x128x128xf32, #tpu.memory_space<vmem>> -> memref<128x128xf32, #tpu.memory_space<vmem>>
        %dma_wait3A_399 = arith.constant 0 : i32
        %dma_wait3A_400 = tpu.memref_slice %arg5[%dma_wait3A_392, %dma_wait3A_399] : memref<50x128xi32, #tpu.memory_space<vmem>> -> memref<1x128xi32, #tpu.memory_space<vmem>>
        %dma_wait3A_401 = tpu.memref_squeeze %dma_wait3A_400 : memref<1x128xi32, #tpu.memory_space<vmem>> -> memref<128xi32, #tpu.memory_space<vmem>>
        %dma_wait3A_402 = arith.constant 0 : i32
        %dma_wait3A_403 = arith.constant 0 : i32
        %dma_wait3A_404 = tpu.memref_slice %arg3[%dma_wait3A_402, %dma_wait3A_403] : memref<100000x128xf32, #tpu.memory_space<hbm>> -> memref<100000x128xf32, #tpu.memory_space<hbm>>
        %dma_wait3A_405 = tpu.memref_slice %arg7[%dma_wait3A_394] : memref<5x!tpu.dma_semaphore, #tpu.memory_space<semaphore_mem>> -> memref<1x!tpu.dma_semaphore, #tpu.memory_space<semaphore_mem>>
        %dma_wait3A_406 = tpu.memref_squeeze %dma_wait3A_405 : memref<1x!tpu.dma_semaphore, #tpu.memory_space<semaphore_mem>> -> memref<!tpu.dma_semaphore, #tpu.memory_space<semaphore_mem>>
        tpu.wait_indirect_dma semaphore(%dma_wait3A_406 : memref<!tpu.dma_semaphore, #tpu.memory_space<semaphore_mem>>) src(%dma_wait3A_404 : memref<100000x128xf32, #tpu.memory_space<hbm>>) dst(%dma_wait3A_398 : memref<128x128xf32, #tpu.memory_space<vmem>>)
        %mul3A_407 = arith.constant 128 : i32
        %mul3A_408 = arith.muli %sub3A_157, %mul3A_407 : i32
        %add3A_409 = arith.addi %mul3A_2, %mul3A_408 : i32
        %dma_start3A_410 = arith.constant 4 : i32
        %dma_start3A_411 = arith.constant 4 : i32
        %dma_start3A_412 = arith.constant 0 : i32
        %dma_start3A_413 = arith.constant 0 : i32
        %dma_start3A_414 = tpu.memref_slice %arg6[%dma_start3A_410, %dma_start3A_412, %dma_start3A_413] : memref<5x128x128xf32, #tpu.memory_space<vmem>> -> memref<1x128x128xf32, #tpu.memory_space<vmem>>
        %dma_start3A_415 = tpu.memref_squeeze %dma_start3A_414 : memref<1x128x128xf32, #tpu.memory_space<vmem>> -> memref<128x128xf32, #tpu.memory_space<vmem>>
        %dma_start3A_416 = arith.constant 0 : i32
        %dma_start3A_417 = tpu.memref_slice %arg4[%add3A_409, %dma_start3A_416] : memref<204800x128xf32, #tpu.memory_space<hbm>> -> memref<128x128xf32, #tpu.memory_space<hbm>>
        %dma_start3A_418 = tpu.memref_slice %arg8[%dma_start3A_411] : memref<5x!tpu.dma_semaphore, #tpu.memory_space<semaphore_mem>> -> memref<1x!tpu.dma_semaphore, #tpu.memory_space<semaphore_mem>>
        %dma_start3A_419 = tpu.memref_squeeze %dma_start3A_418 : memref<1x!tpu.dma_semaphore, #tpu.memory_space<semaphore_mem>> -> memref<!tpu.dma_semaphore, #tpu.memory_space<semaphore_mem>>
        %dma_start3A_420 = arith.constant 0 : i32
        %dma_start3A_421 = tpu.memref_slice %arg4[%add3A_409, %dma_start3A_420] : memref<204800x128xf32, #tpu.memory_space<hbm>> -> memref<128x128xf32, #tpu.memory_space<hbm>>
        %dma_start3A_422 = arith.constant 0 : i32
        %dma_start3A_423 = arith.constant 0 : i32
        %dma_start3A_424 = tpu.memref_slice %arg6[%dma_start3A_410, %dma_start3A_422, %dma_start3A_423] : memref<5x128x128xf32, #tpu.memory_space<vmem>> -> memref<1x128x128xf32, #tpu.memory_space<vmem>>
        %dma_start3A_425 = tpu.memref_squeeze %dma_start3A_424 : memref<1x128x128xf32, #tpu.memory_space<vmem>> -> memref<128x128xf32, #tpu.memory_space<vmem>>
        tpu.enqueue_dma source(%dma_start3A_425 : memref<128x128xf32, #tpu.memory_space<vmem>>) target(%dma_start3A_421 : memref<128x128xf32, #tpu.memory_space<hbm>>) target_semaphore(%dma_start3A_419 : memref<!tpu.dma_semaphore, #tpu.memory_space<semaphore_mem>>)
      } else {
      }
      %mul3A_163 = arith.constant 5 : i32
      %mul3A_164 = arith.muli %scan3A_134, %mul3A_163 : i32
      %add3A_165 = arith.constant 1 : i32
      %add3A_166 = arith.addi %mul3A_164, %add3A_165 : i32
      %gt3A_167 = arith.constant 0 : i32
      %gt3A_168 = arith.cmpi sgt, %scan3A_134, %gt3A_167 : i32
      %convert_element_type3A_169 = arith.extui %gt3A_168 : i1 to i32
      %cond3A_170 = arith.constant 0 : i32
      %cond3A_171 = arith.cmpi ne, %convert_element_type3A_169, %cond3A_170 : i32
      scf.if %cond3A_171 {
        %dma_wait3A_392 = arith.constant 2 : i32
        %dma_wait3A_393 = arith.constant 2 : i32
        %dma_wait3A_394 = arith.constant 0 : i32
        %dma_wait3A_395 = arith.constant 0 : i32
        %dma_wait3A_396 = tpu.memref_slice %arg6[%dma_wait3A_392, %dma_wait3A_394, %dma_wait3A_395] : memref<5x128x128xf32, #tpu.memory_space<vmem>> -> memref<1x128x128xf32, #tpu.memory_space<vmem>>
        %dma_wait3A_397 = tpu.memref_squeeze %dma_wait3A_396 : memref<1x128x128xf32, #tpu.memory_space<vmem>> -> memref<128x128xf32, #tpu.memory_space<vmem>>
        %dma_wait3A_398 = arith.constant 0 : i32
        %dma_wait3A_399 = tpu.memref_slice %arg4[%mul3A_2, %dma_wait3A_398] : memref<204800x128xf32, #tpu.memory_space<hbm>> -> memref<128x128xf32, #tpu.memory_space<hbm>>
        %dma_wait3A_400 = tpu.memref_slice %arg8[%dma_wait3A_393] : memref<5x!tpu.dma_semaphore, #tpu.memory_space<semaphore_mem>> -> memref<1x!tpu.dma_semaphore, #tpu.memory_space<semaphore_mem>>
        %dma_wait3A_401 = tpu.memref_squeeze %dma_wait3A_400 : memref<1x!tpu.dma_semaphore, #tpu.memory_space<semaphore_mem>> -> memref<!tpu.dma_semaphore, #tpu.memory_space<semaphore_mem>>
        %dma_wait3A_402 = arith.constant 0 : i32
        %dma_wait3A_403 = tpu.memref_slice %arg4[%mul3A_2, %dma_wait3A_402] : memref<204800x128xf32, #tpu.memory_space<hbm>> -> memref<128x128xf32, #tpu.memory_space<hbm>>
        %dma_wait3A_404 = arith.constant 0 : i32
        %dma_wait3A_405 = arith.constant 0 : i32
        %dma_wait3A_406 = tpu.memref_slice %arg6[%dma_wait3A_392, %dma_wait3A_404, %dma_wait3A_405] : memref<5x128x128xf32, #tpu.memory_space<vmem>> -> memref<1x128x128xf32, #tpu.memory_space<vmem>>
        %dma_wait3A_407 = tpu.memref_squeeze %dma_wait3A_406 : memref<1x128x128xf32, #tpu.memory_space<vmem>> -> memref<128x128xf32, #tpu.memory_space<vmem>>
        tpu.wait_dma2 semaphore(%dma_wait3A_401 : memref<!tpu.dma_semaphore, #tpu.memory_space<semaphore_mem>>) src(%dma_wait3A_407 : memref<128x128xf32, #tpu.memory_space<vmem>>) dst(%dma_wait3A_403 : memref<128x128xf32, #tpu.memory_space<hbm>>)
      } else {
      }
      %add3A_172 = arith.constant 1 : i32
      %add3A_173 = arith.addi %add3A_166, %add3A_172 : i32
      %dma_start3A_174 = arith.constant 2 : i32
      %dma_start3A_175 = arith.constant 2 : i32
      %dma_start3A_176 = arith.constant 0 : i32
      %dma_start3A_177 = arith.constant 0 : i32
      %dma_start3A_178 = tpu.memref_slice %arg6[%dma_start3A_174, %dma_start3A_176, %dma_start3A_177] : memref<5x128x128xf32, #tpu.memory_space<vmem>> -> memref<1x128x128xf32, #tpu.memory_space<vmem>>
      %dma_start3A_179 = tpu.memref_squeeze %dma_start3A_178 : memref<1x128x128xf32, #tpu.memory_space<vmem>> -> memref<128x128xf32, #tpu.memory_space<vmem>>
      %dma_start3A_180 = arith.constant 0 : i32
      %dma_start3A_181 = tpu.memref_slice %arg5[%add3A_173, %dma_start3A_180] : memref<50x128xi32, #tpu.memory_space<vmem>> -> memref<1x128xi32, #tpu.memory_space<vmem>>
      %dma_start3A_182 = tpu.memref_squeeze %dma_start3A_181 : memref<1x128xi32, #tpu.memory_space<vmem>> -> memref<128xi32, #tpu.memory_space<vmem>>
      %dma_start3A_183 = arith.constant 0 : i32
      %dma_start3A_184 = arith.constant 0 : i32
      %dma_start3A_185 = tpu.memref_slice %arg3[%dma_start3A_183, %dma_start3A_184] : memref<100000x128xf32, #tpu.memory_space<hbm>> -> memref<100000x128xf32, #tpu.memory_space<hbm>>
      %dma_start3A_186 = tpu.memref_slice %arg7[%dma_start3A_175] : memref<5x!tpu.dma_semaphore, #tpu.memory_space<semaphore_mem>> -> memref<1x!tpu.dma_semaphore, #tpu.memory_space<semaphore_mem>>
      %dma_start3A_187 = tpu.memref_squeeze %dma_start3A_186 : memref<1x!tpu.dma_semaphore, #tpu.memory_space<semaphore_mem>> -> memref<!tpu.dma_semaphore, #tpu.memory_space<semaphore_mem>>
      tpu.enqueue_indirect_dma source(%dma_start3A_185 : memref<100000x128xf32, #tpu.memory_space<hbm>>) target(%dma_start3A_179 : memref<128x128xf32, #tpu.memory_space<vmem>>) offsets(%dma_start3A_182 : memref<128xi32, #tpu.memory_space<vmem>>) semaphore(%dma_start3A_187 : memref<!tpu.dma_semaphore, #tpu.memory_space<semaphore_mem>>)
      %sub3A_188 = arith.constant 1 : i32
      %sub3A_189 = arith.subi %add3A_166, %sub3A_188 : i32
      %dma_wait3A_190 = arith.constant 0 : i32
      %dma_wait3A_191 = arith.constant 0 : i32
      %dma_wait3A_192 = arith.constant 0 : i32
      %dma_wait3A_193 = arith.constant 0 : i32
      %dma_wait3A_194 = arith.constant 0 : i32
      %dma_wait3A_195 = tpu.memref_slice %arg6[%dma_wait3A_191, %dma_wait3A_193, %dma_wait3A_194] : memref<5x128x128xf32, #tpu.memory_space<vmem>> -> memref<1x128x128xf32, #tpu.memory_space<vmem>>
      %dma_wait3A_196 = tpu.memref_squeeze %dma_wait3A_195 : memref<1x128x128xf32, #tpu.memory_space<vmem>> -> memref<128x128xf32, #tpu.memory_space<vmem>>
      %dma_wait3A_197 = arith.constant 0 : i32
      %dma_wait3A_198 = tpu.memref_slice %arg5[%dma_wait3A_190, %dma_wait3A_197] : memref<50x128xi32, #tpu.memory_space<vmem>> -> memref<1x128xi32, #tpu.memory_space<vmem>>
      %dma_wait3A_199 = tpu.memref_squeeze %dma_wait3A_198 : memref<1x128xi32, #tpu.memory_space<vmem>> -> memref<128xi32, #tpu.memory_space<vmem>>
      %dma_wait3A_200 = arith.constant 0 : i32
      %dma_wait3A_201 = arith.constant 0 : i32
      %dma_wait3A_202 = tpu.memref_slice %arg3[%dma_wait3A_200, %dma_wait3A_201] : memref<100000x128xf32, #tpu.memory_space<hbm>> -> memref<100000x128xf32, #tpu.memory_space<hbm>>
      %dma_wait3A_203 = tpu.memref_slice %arg7[%dma_wait3A_192] : memref<5x!tpu.dma_semaphore, #tpu.memory_space<semaphore_mem>> -> memref<1x!tpu.dma_semaphore, #tpu.memory_space<semaphore_mem>>
      %dma_wait3A_204 = tpu.memref_squeeze %dma_wait3A_203 : memref<1x!tpu.dma_semaphore, #tpu.memory_space<semaphore_mem>> -> memref<!tpu.dma_semaphore, #tpu.memory_space<semaphore_mem>>
      tpu.wait_indirect_dma semaphore(%dma_wait3A_204 : memref<!tpu.dma_semaphore, #tpu.memory_space<semaphore_mem>>) src(%dma_wait3A_202 : memref<100000x128xf32, #tpu.memory_space<hbm>>) dst(%dma_wait3A_196 : memref<128x128xf32, #tpu.memory_space<vmem>>)
      %mul3A_205 = arith.constant 128 : i32
      %mul3A_206 = arith.muli %sub3A_189, %mul3A_205 : i32
      %add3A_207 = arith.addi %mul3A_2, %mul3A_206 : i32
      %dma_start3A_208 = arith.constant 0 : i32
      %dma_start3A_209 = arith.constant 0 : i32
      %dma_start3A_210 = arith.constant 0 : i32
      %dma_start3A_211 = arith.constant 0 : i32
      %dma_start3A_212 = tpu.memref_slice %arg6[%dma_start3A_208, %dma_start3A_210, %dma_start3A_211] : memref<5x128x128xf32, #tpu.memory_space<vmem>> -> memref<1x128x128xf32, #tpu.memory_space<vmem>>
      %dma_start3A_213 = tpu.memref_squeeze %dma_start3A_212 : memref<1x128x128xf32, #tpu.memory_space<vmem>> -> memref<128x128xf32, #tpu.memory_space<vmem>>
      %dma_start3A_214 = arith.constant 0 : i32
      %dma_start3A_215 = tpu.memref_slice %arg4[%add3A_207, %dma_start3A_214] : memref<204800x128xf32, #tpu.memory_space<hbm>> -> memref<128x128xf32, #tpu.memory_space<hbm>>
      %dma_start3A_216 = tpu.memref_slice %arg8[%dma_start3A_209] : memref<5x!tpu.dma_semaphore, #tpu.memory_space<semaphore_mem>> -> memref<1x!tpu.dma_semaphore, #tpu.memory_space<semaphore_mem>>
      %dma_start3A_217 = tpu.memref_squeeze %dma_start3A_216 : memref<1x!tpu.dma_semaphore, #tpu.memory_space<semaphore_mem>> -> memref<!tpu.dma_semaphore, #tpu.memory_space<semaphore_mem>>
      %dma_start3A_218 = arith.constant 0 : i32
      %dma_start3A_219 = tpu.memref_slice %arg4[%add3A_207, %dma_start3A_218] : memref<204800x128xf32, #tpu.memory_space<hbm>> -> memref<128x128xf32, #tpu.memory_space<hbm>>
      %dma_start3A_220 = arith.constant 0 : i32
      %dma_start3A_221 = arith.constant 0 : i32
      %dma_start3A_222 = tpu.memref_slice %arg6[%dma_start3A_208, %dma_start3A_220, %dma_start3A_221] : memref<5x128x128xf32, #tpu.memory_space<vmem>> -> memref<1x128x128xf32, #tpu.memory_space<vmem>>
      %dma_start3A_223 = tpu.memref_squeeze %dma_start3A_222 : memref<1x128x128xf32, #tpu.memory_space<vmem>> -> memref<128x128xf32, #tpu.memory_space<vmem>>
      tpu.enqueue_dma source(%dma_start3A_223 : memref<128x128xf32, #tpu.memory_space<vmem>>) target(%dma_start3A_219 : memref<128x128xf32, #tpu.memory_space<hbm>>) target_semaphore(%dma_start3A_217 : memref<!tpu.dma_semaphore, #tpu.memory_space<semaphore_mem>>)
      %mul3A_224 = arith.constant 5 : i32
      %mul3A_225 = arith.muli %scan3A_134, %mul3A_224 : i32
      %add3A_226 = arith.constant 2 : i32
      %add3A_227 = arith.addi %mul3A_225, %add3A_226 : i32
      %gt3A_228 = arith.constant 0 : i32
      %gt3A_229 = arith.cmpi sgt, %scan3A_134, %gt3A_228 : i32
      %convert_element_type3A_230 = arith.extui %gt3A_229 : i1 to i32
      %cond3A_231 = arith.constant 0 : i32
      %cond3A_232 = arith.cmpi ne, %convert_element_type3A_230, %cond3A_231 : i32
      scf.if %cond3A_232 {
        %dma_wait3A_392 = arith.constant 3 : i32
        %dma_wait3A_393 = arith.constant 3 : i32
        %dma_wait3A_394 = arith.constant 0 : i32
        %dma_wait3A_395 = arith.constant 0 : i32
        %dma_wait3A_396 = tpu.memref_slice %arg6[%dma_wait3A_392, %dma_wait3A_394, %dma_wait3A_395] : memref<5x128x128xf32, #tpu.memory_space<vmem>> -> memref<1x128x128xf32, #tpu.memory_space<vmem>>
        %dma_wait3A_397 = tpu.memref_squeeze %dma_wait3A_396 : memref<1x128x128xf32, #tpu.memory_space<vmem>> -> memref<128x128xf32, #tpu.memory_space<vmem>>
        %dma_wait3A_398 = arith.constant 0 : i32
        %dma_wait3A_399 = tpu.memref_slice %arg4[%mul3A_2, %dma_wait3A_398] : memref<204800x128xf32, #tpu.memory_space<hbm>> -> memref<128x128xf32, #tpu.memory_space<hbm>>
        %dma_wait3A_400 = tpu.memref_slice %arg8[%dma_wait3A_393] : memref<5x!tpu.dma_semaphore, #tpu.memory_space<semaphore_mem>> -> memref<1x!tpu.dma_semaphore, #tpu.memory_space<semaphore_mem>>
        %dma_wait3A_401 = tpu.memref_squeeze %dma_wait3A_400 : memref<1x!tpu.dma_semaphore, #tpu.memory_space<semaphore_mem>> -> memref<!tpu.dma_semaphore, #tpu.memory_space<semaphore_mem>>
        %dma_wait3A_402 = arith.constant 0 : i32
        %dma_wait3A_403 = tpu.memref_slice %arg4[%mul3A_2, %dma_wait3A_402] : memref<204800x128xf32, #tpu.memory_space<hbm>> -> memref<128x128xf32, #tpu.memory_space<hbm>>
        %dma_wait3A_404 = arith.constant 0 : i32
        %dma_wait3A_405 = arith.constant 0 : i32
        %dma_wait3A_406 = tpu.memref_slice %arg6[%dma_wait3A_392, %dma_wait3A_404, %dma_wait3A_405] : memref<5x128x128xf32, #tpu.memory_space<vmem>> -> memref<1x128x128xf32, #tpu.memory_space<vmem>>
        %dma_wait3A_407 = tpu.memref_squeeze %dma_wait3A_406 : memref<1x128x128xf32, #tpu.memory_space<vmem>> -> memref<128x128xf32, #tpu.memory_space<vmem>>
        tpu.wait_dma2 semaphore(%dma_wait3A_401 : memref<!tpu.dma_semaphore, #tpu.memory_space<semaphore_mem>>) src(%dma_wait3A_407 : memref<128x128xf32, #tpu.memory_space<vmem>>) dst(%dma_wait3A_403 : memref<128x128xf32, #tpu.memory_space<hbm>>)
      } else {
      }
      %add3A_233 = arith.constant 1 : i32
      %add3A_234 = arith.addi %add3A_227, %add3A_233 : i32
      %dma_start3A_235 = arith.constant 3 : i32
      %dma_start3A_236 = arith.constant 3 : i32
      %dma_start3A_237 = arith.constant 0 : i32
      %dma_start3A_238 = arith.constant 0 : i32
      %dma_start3A_239 = tpu.memref_slice %arg6[%dma_start3A_235, %dma_start3A_237, %dma_start3A_238] : memref<5x128x128xf32, #tpu.memory_space<vmem>> -> memref<1x128x128xf32, #tpu.memory_space<vmem>>
      %dma_start3A_240 = tpu.memref_squeeze %dma_start3A_239 : memref<1x128x128xf32, #tpu.memory_space<vmem>> -> memref<128x128xf32, #tpu.memory_space<vmem>>
      %dma_start3A_241 = arith.constant 0 : i32
      %dma_start3A_242 = tpu.memref_slice %arg5[%add3A_234, %dma_start3A_241] : memref<50x128xi32, #tpu.memory_space<vmem>> -> memref<1x128xi32, #tpu.memory_space<vmem>>
      %dma_start3A_243 = tpu.memref_squeeze %dma_start3A_242 : memref<1x128xi32, #tpu.memory_space<vmem>> -> memref<128xi32, #tpu.memory_space<vmem>>
      %dma_start3A_244 = arith.constant 0 : i32
      %dma_start3A_245 = arith.constant 0 : i32
      %dma_start3A_246 = tpu.memref_slice %arg3[%dma_start3A_244, %dma_start3A_245] : memref<100000x128xf32, #tpu.memory_space<hbm>> -> memref<100000x128xf32, #tpu.memory_space<hbm>>
      %dma_start3A_247 = tpu.memref_slice %arg7[%dma_start3A_236] : memref<5x!tpu.dma_semaphore, #tpu.memory_space<semaphore_mem>> -> memref<1x!tpu.dma_semaphore, #tpu.memory_space<semaphore_mem>>
      %dma_start3A_248 = tpu.memref_squeeze %dma_start3A_247 : memref<1x!tpu.dma_semaphore, #tpu.memory_space<semaphore_mem>> -> memref<!tpu.dma_semaphore, #tpu.memory_space<semaphore_mem>>
      tpu.enqueue_indirect_dma source(%dma_start3A_246 : memref<100000x128xf32, #tpu.memory_space<hbm>>) target(%dma_start3A_240 : memref<128x128xf32, #tpu.memory_space<vmem>>) offsets(%dma_start3A_243 : memref<128xi32, #tpu.memory_space<vmem>>) semaphore(%dma_start3A_248 : memref<!tpu.dma_semaphore, #tpu.memory_space<semaphore_mem>>)
      %sub3A_249 = arith.constant 1 : i32
      %sub3A_250 = arith.subi %add3A_227, %sub3A_249 : i32
      %dma_wait3A_251 = arith.constant 0 : i32
      %dma_wait3A_252 = arith.constant 1 : i32
      %dma_wait3A_253 = arith.constant 1 : i32
      %dma_wait3A_254 = arith.constant 0 : i32
      %dma_wait3A_255 = arith.constant 0 : i32
      %dma_wait3A_256 = tpu.memref_slice %arg6[%dma_wait3A_252, %dma_wait3A_254, %dma_wait3A_255] : memref<5x128x128xf32, #tpu.memory_space<vmem>> -> memref<1x128x128xf32, #tpu.memory_space<vmem>>
      %dma_wait3A_257 = tpu.memref_squeeze %dma_wait3A_256 : memref<1x128x128xf32, #tpu.memory_space<vmem>> -> memref<128x128xf32, #tpu.memory_space<vmem>>
      %dma_wait3A_258 = arith.constant 0 : i32
      %dma_wait3A_259 = tpu.memref_slice %arg5[%dma_wait3A_251, %dma_wait3A_258] : memref<50x128xi32, #tpu.memory_space<vmem>> -> memref<1x128xi32, #tpu.memory_space<vmem>>
      %dma_wait3A_260 = tpu.memref_squeeze %dma_wait3A_259 : memref<1x128xi32, #tpu.memory_space<vmem>> -> memref<128xi32, #tpu.memory_space<vmem>>
      %dma_wait3A_261 = arith.constant 0 : i32
      %dma_wait3A_262 = arith.constant 0 : i32
      %dma_wait3A_263 = tpu.memref_slice %arg3[%dma_wait3A_261, %dma_wait3A_262] : memref<100000x128xf32, #tpu.memory_space<hbm>> -> memref<100000x128xf32, #tpu.memory_space<hbm>>
      %dma_wait3A_264 = tpu.memref_slice %arg7[%dma_wait3A_253] : memref<5x!tpu.dma_semaphore, #tpu.memory_space<semaphore_mem>> -> memref<1x!tpu.dma_semaphore, #tpu.memory_space<semaphore_mem>>
      %dma_wait3A_265 = tpu.memref_squeeze %dma_wait3A_264 : memref<1x!tpu.dma_semaphore, #tpu.memory_space<semaphore_mem>> -> memref<!tpu.dma_semaphore, #tpu.memory_space<semaphore_mem>>
      tpu.wait_indirect_dma semaphore(%dma_wait3A_265 : memref<!tpu.dma_semaphore, #tpu.memory_space<semaphore_mem>>) src(%dma_wait3A_263 : memref<100000x128xf32, #tpu.memory_space<hbm>>) dst(%dma_wait3A_257 : memref<128x128xf32, #tpu.memory_space<vmem>>)
      %mul3A_266 = arith.constant 128 : i32
      %mul3A_267 = arith.muli %sub3A_250, %mul3A_266 : i32
      %add3A_268 = arith.addi %mul3A_2, %mul3A_267 : i32
      %dma_start3A_269 = arith.constant 1 : i32
      %dma_start3A_270 = arith.constant 1 : i32
      %dma_start3A_271 = arith.constant 0 : i32
      %dma_start3A_272 = arith.constant 0 : i32
      %dma_start3A_273 = tpu.memref_slice %arg6[%dma_start3A_269, %dma_start3A_271, %dma_start3A_272] : memref<5x128x128xf32, #tpu.memory_space<vmem>> -> memref<1x128x128xf32, #tpu.memory_space<vmem>>
      %dma_start3A_274 = tpu.memref_squeeze %dma_start3A_273 : memref<1x128x128xf32, #tpu.memory_space<vmem>> -> memref<128x128xf32, #tpu.memory_space<vmem>>
      %dma_start3A_275 = arith.constant 0 : i32
      %dma_start3A_276 = tpu.memref_slice %arg4[%add3A_268, %dma_start3A_275] : memref<204800x128xf32, #tpu.memory_space<hbm>> -> memref<128x128xf32, #tpu.memory_space<hbm>>
      %dma_start3A_277 = tpu.memref_slice %arg8[%dma_start3A_270] : memref<5x!tpu.dma_semaphore, #tpu.memory_space<semaphore_mem>> -> memref<1x!tpu.dma_semaphore, #tpu.memory_space<semaphore_mem>>
      %dma_start3A_278 = tpu.memref_squeeze %dma_start3A_277 : memref<1x!tpu.dma_semaphore, #tpu.memory_space<semaphore_mem>> -> memref<!tpu.dma_semaphore, #tpu.memory_space<semaphore_mem>>
      %dma_start3A_279 = arith.constant 0 : i32
      %dma_start3A_280 = tpu.memref_slice %arg4[%add3A_268, %dma_start3A_279] : memref<204800x128xf32, #tpu.memory_space<hbm>> -> memref<128x128xf32, #tpu.memory_space<hbm>>
      %dma_start3A_281 = arith.constant 0 : i32
      %dma_start3A_282 = arith.constant 0 : i32
      %dma_start3A_283 = tpu.memref_slice %arg6[%dma_start3A_269, %dma_start3A_281, %dma_start3A_282] : memref<5x128x128xf32, #tpu.memory_space<vmem>> -> memref<1x128x128xf32, #tpu.memory_space<vmem>>
      %dma_start3A_284 = tpu.memref_squeeze %dma_start3A_283 : memref<1x128x128xf32, #tpu.memory_space<vmem>> -> memref<128x128xf32, #tpu.memory_space<vmem>>
      tpu.enqueue_dma source(%dma_start3A_284 : memref<128x128xf32, #tpu.memory_space<vmem>>) target(%dma_start3A_280 : memref<128x128xf32, #tpu.memory_space<hbm>>) target_semaphore(%dma_start3A_278 : memref<!tpu.dma_semaphore, #tpu.memory_space<semaphore_mem>>)
      %mul3A_285 = arith.constant 5 : i32
      %mul3A_286 = arith.muli %scan3A_134, %mul3A_285 : i32
      %add3A_287 = arith.constant 3 : i32
      %add3A_288 = arith.addi %mul3A_286, %add3A_287 : i32
      %gt3A_289 = arith.constant 0 : i32
      %gt3A_290 = arith.cmpi sgt, %scan3A_134, %gt3A_289 : i32
      %convert_element_type3A_291 = arith.extui %gt3A_290 : i1 to i32
      %cond3A_292 = arith.constant 0 : i32
      %cond3A_293 = arith.cmpi ne, %convert_element_type3A_291, %cond3A_292 : i32
      scf.if %cond3A_293 {
        %dma_wait3A_392 = arith.constant 4 : i32
        %dma_wait3A_393 = arith.constant 4 : i32
        %dma_wait3A_394 = arith.constant 0 : i32
        %dma_wait3A_395 = arith.constant 0 : i32
        %dma_wait3A_396 = tpu.memref_slice %arg6[%dma_wait3A_392, %dma_wait3A_394, %dma_wait3A_395] : memref<5x128x128xf32, #tpu.memory_space<vmem>> -> memref<1x128x128xf32, #tpu.memory_space<vmem>>
        %dma_wait3A_397 = tpu.memref_squeeze %dma_wait3A_396 : memref<1x128x128xf32, #tpu.memory_space<vmem>> -> memref<128x128xf32, #tpu.memory_space<vmem>>
        %dma_wait3A_398 = arith.constant 0 : i32
        %dma_wait3A_399 = tpu.memref_slice %arg4[%mul3A_2, %dma_wait3A_398] : memref<204800x128xf32, #tpu.memory_space<hbm>> -> memref<128x128xf32, #tpu.memory_space<hbm>>
        %dma_wait3A_400 = tpu.memref_slice %arg8[%dma_wait3A_393] : memref<5x!tpu.dma_semaphore, #tpu.memory_space<semaphore_mem>> -> memref<1x!tpu.dma_semaphore, #tpu.memory_space<semaphore_mem>>
        %dma_wait3A_401 = tpu.memref_squeeze %dma_wait3A_400 : memref<1x!tpu.dma_semaphore, #tpu.memory_space<semaphore_mem>> -> memref<!tpu.dma_semaphore, #tpu.memory_space<semaphore_mem>>
        %dma_wait3A_402 = arith.constant 0 : i32
        %dma_wait3A_403 = tpu.memref_slice %arg4[%mul3A_2, %dma_wait3A_402] : memref<204800x128xf32, #tpu.memory_space<hbm>> -> memref<128x128xf32, #tpu.memory_space<hbm>>
        %dma_wait3A_404 = arith.constant 0 : i32
        %dma_wait3A_405 = arith.constant 0 : i32
        %dma_wait3A_406 = tpu.memref_slice %arg6[%dma_wait3A_392, %dma_wait3A_404, %dma_wait3A_405] : memref<5x128x128xf32, #tpu.memory_space<vmem>> -> memref<1x128x128xf32, #tpu.memory_space<vmem>>
        %dma_wait3A_407 = tpu.memref_squeeze %dma_wait3A_406 : memref<1x128x128xf32, #tpu.memory_space<vmem>> -> memref<128x128xf32, #tpu.memory_space<vmem>>
        tpu.wait_dma2 semaphore(%dma_wait3A_401 : memref<!tpu.dma_semaphore, #tpu.memory_space<semaphore_mem>>) src(%dma_wait3A_407 : memref<128x128xf32, #tpu.memory_space<vmem>>) dst(%dma_wait3A_403 : memref<128x128xf32, #tpu.memory_space<hbm>>)
      } else {
      }
      %add3A_294 = arith.constant 1 : i32
      %add3A_295 = arith.addi %add3A_288, %add3A_294 : i32
      %dma_start3A_296 = arith.constant 4 : i32
      %dma_start3A_297 = arith.constant 4 : i32
      %dma_start3A_298 = arith.constant 0 : i32
      %dma_start3A_299 = arith.constant 0 : i32
      %dma_start3A_300 = tpu.memref_slice %arg6[%dma_start3A_296, %dma_start3A_298, %dma_start3A_299] : memref<5x128x128xf32, #tpu.memory_space<vmem>> -> memref<1x128x128xf32, #tpu.memory_space<vmem>>
      %dma_start3A_301 = tpu.memref_squeeze %dma_start3A_300 : memref<1x128x128xf32, #tpu.memory_space<vmem>> -> memref<128x128xf32, #tpu.memory_space<vmem>>
      %dma_start3A_302 = arith.constant 0 : i32
      %dma_start3A_303 = tpu.memref_slice %arg5[%add3A_295, %dma_start3A_302] : memref<50x128xi32, #tpu.memory_space<vmem>> -> memref<1x128xi32, #tpu.memory_space<vmem>>
      %dma_start3A_304 = tpu.memref_squeeze %dma_start3A_303 : memref<1x128xi32, #tpu.memory_space<vmem>> -> memref<128xi32, #tpu.memory_space<vmem>>
      %dma_start3A_305 = arith.constant 0 : i32
      %dma_start3A_306 = arith.constant 0 : i32
      %dma_start3A_307 = tpu.memref_slice %arg3[%dma_start3A_305, %dma_start3A_306] : memref<100000x128xf32, #tpu.memory_space<hbm>> -> memref<100000x128xf32, #tpu.memory_space<hbm>>
      %dma_start3A_308 = tpu.memref_slice %arg7[%dma_start3A_297] : memref<5x!tpu.dma_semaphore, #tpu.memory_space<semaphore_mem>> -> memref<1x!tpu.dma_semaphore, #tpu.memory_space<semaphore_mem>>
      %dma_start3A_309 = tpu.memref_squeeze %dma_start3A_308 : memref<1x!tpu.dma_semaphore, #tpu.memory_space<semaphore_mem>> -> memref<!tpu.dma_semaphore, #tpu.memory_space<semaphore_mem>>
      tpu.enqueue_indirect_dma source(%dma_start3A_307 : memref<100000x128xf32, #tpu.memory_space<hbm>>) target(%dma_start3A_301 : memref<128x128xf32, #tpu.memory_space<vmem>>) offsets(%dma_start3A_304 : memref<128xi32, #tpu.memory_space<vmem>>) semaphore(%dma_start3A_309 : memref<!tpu.dma_semaphore, #tpu.memory_space<semaphore_mem>>)
      %sub3A_310 = arith.constant 1 : i32
      %sub3A_311 = arith.subi %add3A_288, %sub3A_310 : i32
      %dma_wait3A_312 = arith.constant 0 : i32
      %dma_wait3A_313 = arith.constant 2 : i32
      %dma_wait3A_314 = arith.constant 2 : i32
      %dma_wait3A_315 = arith.constant 0 : i32
      %dma_wait3A_316 = arith.constant 0 : i32
      %dma_wait3A_317 = tpu.memref_slice %arg6[%dma_wait3A_313, %dma_wait3A_315, %dma_wait3A_316] : memref<5x128x128xf32, #tpu.memory_space<vmem>> -> memref<1x128x128xf32, #tpu.memory_space<vmem>>
      %dma_wait3A_318 = tpu.memref_squeeze %dma_wait3A_317 : memref<1x128x128xf32, #tpu.memory_space<vmem>> -> memref<128x128xf32, #tpu.memory_space<vmem>>
      %dma_wait3A_319 = arith.constant 0 : i32
      %dma_wait3A_320 = tpu.memref_slice %arg5[%dma_wait3A_312, %dma_wait3A_319] : memref<50x128xi32, #tpu.memory_space<vmem>> -> memref<1x128xi32, #tpu.memory_space<vmem>>
      %dma_wait3A_321 = tpu.memref_squeeze %dma_wait3A_320 : memref<1x128xi32, #tpu.memory_space<vmem>> -> memref<128xi32, #tpu.memory_space<vmem>>
      %dma_wait3A_322 = arith.constant 0 : i32
      %dma_wait3A_323 = arith.constant 0 : i32
      %dma_wait3A_324 = tpu.memref_slice %arg3[%dma_wait3A_322, %dma_wait3A_323] : memref<100000x128xf32, #tpu.memory_space<hbm>> -> memref<100000x128xf32, #tpu.memory_space<hbm>>
      %dma_wait3A_325 = tpu.memref_slice %arg7[%dma_wait3A_314] : memref<5x!tpu.dma_semaphore, #tpu.memory_space<semaphore_mem>> -> memref<1x!tpu.dma_semaphore, #tpu.memory_space<semaphore_mem>>
      %dma_wait3A_326 = tpu.memref_squeeze %dma_wait3A_325 : memref<1x!tpu.dma_semaphore, #tpu.memory_space<semaphore_mem>> -> memref<!tpu.dma_semaphore, #tpu.memory_space<semaphore_mem>>
      tpu.wait_indirect_dma semaphore(%dma_wait3A_326 : memref<!tpu.dma_semaphore, #tpu.memory_space<semaphore_mem>>) src(%dma_wait3A_324 : memref<100000x128xf32, #tpu.memory_space<hbm>>) dst(%dma_wait3A_318 : memref<128x128xf32, #tpu.memory_space<vmem>>)
      %mul3A_327 = arith.constant 128 : i32
      %mul3A_328 = arith.muli %sub3A_311, %mul3A_327 : i32
      %add3A_329 = arith.addi %mul3A_2, %mul3A_328 : i32
      %dma_start3A_330 = arith.constant 2 : i32
      %dma_start3A_331 = arith.constant 2 : i32
      %dma_start3A_332 = arith.constant 0 : i32
      %dma_start3A_333 = arith.constant 0 : i32
      %dma_start3A_334 = tpu.memref_slice %arg6[%dma_start3A_330, %dma_start3A_332, %dma_start3A_333] : memref<5x128x128xf32, #tpu.memory_space<vmem>> -> memref<1x128x128xf32, #tpu.memory_space<vmem>>
      %dma_start3A_335 = tpu.memref_squeeze %dma_start3A_334 : memref<1x128x128xf32, #tpu.memory_space<vmem>> -> memref<128x128xf32, #tpu.memory_space<vmem>>
      %dma_start3A_336 = arith.constant 0 : i32
      %dma_start3A_337 = tpu.memref_slice %arg4[%add3A_329, %dma_start3A_336] : memref<204800x128xf32, #tpu.memory_space<hbm>> -> memref<128x128xf32, #tpu.memory_space<hbm>>
      %dma_start3A_338 = tpu.memref_slice %arg8[%dma_start3A_331] : memref<5x!tpu.dma_semaphore, #tpu.memory_space<semaphore_mem>> -> memref<1x!tpu.dma_semaphore, #tpu.memory_space<semaphore_mem>>
      %dma_start3A_339 = tpu.memref_squeeze %dma_start3A_338 : memref<1x!tpu.dma_semaphore, #tpu.memory_space<semaphore_mem>> -> memref<!tpu.dma_semaphore, #tpu.memory_space<semaphore_mem>>
      %dma_start3A_340 = arith.constant 0 : i32
      %dma_start3A_341 = tpu.memref_slice %arg4[%add3A_329, %dma_start3A_340] : memref<204800x128xf32, #tpu.memory_space<hbm>> -> memref<128x128xf32, #tpu.memory_space<hbm>>
      %dma_start3A_342 = arith.constant 0 : i32
      %dma_start3A_343 = arith.constant 0 : i32
      %dma_start3A_344 = tpu.memref_slice %arg6[%dma_start3A_330, %dma_start3A_342, %dma_start3A_343] : memref<5x128x128xf32, #tpu.memory_space<vmem>> -> memref<1x128x128xf32, #tpu.memory_space<vmem>>
      %dma_start3A_345 = tpu.memref_squeeze %dma_start3A_344 : memref<1x128x128xf32, #tpu.memory_space<vmem>> -> memref<128x128xf32, #tpu.memory_space<vmem>>
      tpu.enqueue_dma source(%dma_start3A_345 : memref<128x128xf32, #tpu.memory_space<vmem>>) target(%dma_start3A_341 : memref<128x128xf32, #tpu.memory_space<hbm>>) target_semaphore(%dma_start3A_339 : memref<!tpu.dma_semaphore, #tpu.memory_space<semaphore_mem>>)
      %mul3A_346 = arith.constant 5 : i32
      %mul3A_347 = arith.muli %scan3A_134, %mul3A_346 : i32
      %add3A_348 = arith.constant 4 : i32
      %add3A_349 = arith.addi %mul3A_347, %add3A_348 : i32
      %add3A_350 = arith.constant 1 : i32
      %add3A_351 = arith.addi %add3A_349, %add3A_350 : i32
      %lt3A = arith.constant 9 : i32
      %lt3A_352 = arith.cmpi slt, %scan3A_134, %lt3A : i32
      %convert_element_type3A_353 = arith.extui %lt3A_352 : i1 to i32
      %cond3A_354 = arith.constant 0 : i32
      %cond3A_355 = arith.cmpi ne, %convert_element_type3A_353, %cond3A_354 : i32
      scf.if %cond3A_355 {
        %dma_wait3A_392 = arith.constant 0 : i32
        %dma_wait3A_393 = arith.constant 0 : i32
        %dma_wait3A_394 = arith.constant 0 : i32
        %dma_wait3A_395 = arith.constant 0 : i32
        %dma_wait3A_396 = tpu.memref_slice %arg6[%dma_wait3A_392, %dma_wait3A_394, %dma_wait3A_395] : memref<5x128x128xf32, #tpu.memory_space<vmem>> -> memref<1x128x128xf32, #tpu.memory_space<vmem>>
        %dma_wait3A_397 = tpu.memref_squeeze %dma_wait3A_396 : memref<1x128x128xf32, #tpu.memory_space<vmem>> -> memref<128x128xf32, #tpu.memory_space<vmem>>
        %dma_wait3A_398 = arith.constant 0 : i32
        %dma_wait3A_399 = tpu.memref_slice %arg4[%mul3A_2, %dma_wait3A_398] : memref<204800x128xf32, #tpu.memory_space<hbm>> -> memref<128x128xf32, #tpu.memory_space<hbm>>
        %dma_wait3A_400 = tpu.memref_slice %arg8[%dma_wait3A_393] : memref<5x!tpu.dma_semaphore, #tpu.memory_space<semaphore_mem>> -> memref<1x!tpu.dma_semaphore, #tpu.memory_space<semaphore_mem>>
        %dma_wait3A_401 = tpu.memref_squeeze %dma_wait3A_400 : memref<1x!tpu.dma_semaphore, #tpu.memory_space<semaphore_mem>> -> memref<!tpu.dma_semaphore, #tpu.memory_space<semaphore_mem>>
        %dma_wait3A_402 = arith.constant 0 : i32
        %dma_wait3A_403 = tpu.memref_slice %arg4[%mul3A_2, %dma_wait3A_402] : memref<204800x128xf32, #tpu.memory_space<hbm>> -> memref<128x128xf32, #tpu.memory_space<hbm>>
        %dma_wait3A_404 = arith.constant 0 : i32
        %dma_wait3A_405 = arith.constant 0 : i32
        %dma_wait3A_406 = tpu.memref_slice %arg6[%dma_wait3A_392, %dma_wait3A_404, %dma_wait3A_405] : memref<5x128x128xf32, #tpu.memory_space<vmem>> -> memref<1x128x128xf32, #tpu.memory_space<vmem>>
        %dma_wait3A_407 = tpu.memref_squeeze %dma_wait3A_406 : memref<1x128x128xf32, #tpu.memory_space<vmem>> -> memref<128x128xf32, #tpu.memory_space<vmem>>
        tpu.wait_dma2 semaphore(%dma_wait3A_401 : memref<!tpu.dma_semaphore, #tpu.memory_space<semaphore_mem>>) src(%dma_wait3A_407 : memref<128x128xf32, #tpu.memory_space<vmem>>) dst(%dma_wait3A_403 : memref<128x128xf32, #tpu.memory_space<hbm>>)
        %dma_start3A_408 = arith.constant 0 : i32
        %dma_start3A_409 = arith.constant 0 : i32
        %dma_start3A_410 = arith.constant 0 : i32
        %dma_start3A_411 = arith.constant 0 : i32
        %dma_start3A_412 = tpu.memref_slice %arg6[%dma_start3A_408, %dma_start3A_410, %dma_start3A_411] : memref<5x128x128xf32, #tpu.memory_space<vmem>> -> memref<1x128x128xf32, #tpu.memory_space<vmem>>
        %dma_start3A_413 = tpu.memref_squeeze %dma_start3A_412 : memref<1x128x128xf32, #tpu.memory_space<vmem>> -> memref<128x128xf32, #tpu.memory_space<vmem>>
        %dma_start3A_414 = arith.constant 0 : i32
        %dma_start3A_415 = tpu.memref_slice %arg5[%add3A_351, %dma_start3A_414] : memref<50x128xi32, #tpu.memory_space<vmem>> -> memref<1x128xi32, #tpu.memory_space<vmem>>
        %dma_start3A_416 = tpu.memref_squeeze %dma_start3A_415 : memref<1x128xi32, #tpu.memory_space<vmem>> -> memref<128xi32, #tpu.memory_space<vmem>>
        %dma_start3A_417 = arith.constant 0 : i32
        %dma_start3A_418 = arith.constant 0 : i32
        %dma_start3A_419 = tpu.memref_slice %arg3[%dma_start3A_417, %dma_start3A_418] : memref<100000x128xf32, #tpu.memory_space<hbm>> -> memref<100000x128xf32, #tpu.memory_space<hbm>>
        %dma_start3A_420 = tpu.memref_slice %arg7[%dma_start3A_409] : memref<5x!tpu.dma_semaphore, #tpu.memory_space<semaphore_mem>> -> memref<1x!tpu.dma_semaphore, #tpu.memory_space<semaphore_mem>>
        %dma_start3A_421 = tpu.memref_squeeze %dma_start3A_420 : memref<1x!tpu.dma_semaphore, #tpu.memory_space<semaphore_mem>> -> memref<!tpu.dma_semaphore, #tpu.memory_space<semaphore_mem>>
        tpu.enqueue_indirect_dma source(%dma_start3A_419 : memref<100000x128xf32, #tpu.memory_space<hbm>>) target(%dma_start3A_413 : memref<128x128xf32, #tpu.memory_space<vmem>>) offsets(%dma_start3A_416 : memref<128xi32, #tpu.memory_space<vmem>>) semaphore(%dma_start3A_421 : memref<!tpu.dma_semaphore, #tpu.memory_space<semaphore_mem>>)
      } else {
      }
      %sub3A_356 = arith.constant 1 : i32
      %sub3A_357 = arith.subi %add3A_349, %sub3A_356 : i32
      %dma_wait3A_358 = arith.constant 0 : i32
      %dma_wait3A_359 = arith.constant 3 : i32
      %dma_wait3A_360 = arith.constant 3 : i32
      %dma_wait3A_361 = arith.constant 0 : i32
      %dma_wait3A_362 = arith.constant 0 : i32
      %dma_wait3A_363 = tpu.memref_slice %arg6[%dma_wait3A_359, %dma_wait3A_361, %dma_wait3A_362] : memref<5x128x128xf32, #tpu.memory_space<vmem>> -> memref<1x128x128xf32, #tpu.memory_space<vmem>>
      %dma_wait3A_364 = tpu.memref_squeeze %dma_wait3A_363 : memref<1x128x128xf32, #tpu.memory_space<vmem>> -> memref<128x128xf32, #tpu.memory_space<vmem>>
      %dma_wait3A_365 = arith.constant 0 : i32
      %dma_wait3A_366 = tpu.memref_slice %arg5[%dma_wait3A_358, %dma_wait3A_365] : memref<50x128xi32, #tpu.memory_space<vmem>> -> memref<1x128xi32, #tpu.memory_space<vmem>>
      %dma_wait3A_367 = tpu.memref_squeeze %dma_wait3A_366 : memref<1x128xi32, #tpu.memory_space<vmem>> -> memref<128xi32, #tpu.memory_space<vmem>>
      %dma_wait3A_368 = arith.constant 0 : i32
      %dma_wait3A_369 = arith.constant 0 : i32
      %dma_wait3A_370 = tpu.memref_slice %arg3[%dma_wait3A_368, %dma_wait3A_369] : memref<100000x128xf32, #tpu.memory_space<hbm>> -> memref<100000x128xf32, #tpu.memory_space<hbm>>
      %dma_wait3A_371 = tpu.memref_slice %arg7[%dma_wait3A_360] : memref<5x!tpu.dma_semaphore, #tpu.memory_space<semaphore_mem>> -> memref<1x!tpu.dma_semaphore, #tpu.memory_space<semaphore_mem>>
      %dma_wait3A_372 = tpu.memref_squeeze %dma_wait3A_371 : memref<1x!tpu.dma_semaphore, #tpu.memory_space<semaphore_mem>> -> memref<!tpu.dma_semaphore, #tpu.memory_space<semaphore_mem>>
      tpu.wait_indirect_dma semaphore(%dma_wait3A_372 : memref<!tpu.dma_semaphore, #tpu.memory_space<semaphore_mem>>) src(%dma_wait3A_370 : memref<100000x128xf32, #tpu.memory_space<hbm>>) dst(%dma_wait3A_364 : memref<128x128xf32, #tpu.memory_space<vmem>>)
      %mul3A_373 = arith.constant 128 : i32
      %mul3A_374 = arith.muli %sub3A_357, %mul3A_373 : i32
      %add3A_375 = arith.addi %mul3A_2, %mul3A_374 : i32
      %dma_start3A_376 = arith.constant 3 : i32
      %dma_start3A_377 = arith.constant 3 : i32
      %dma_start3A_378 = arith.constant 0 : i32
      %dma_start3A_379 = arith.constant 0 : i32
      %dma_start3A_380 = tpu.memref_slice %arg6[%dma_start3A_376, %dma_start3A_378, %dma_start3A_379] : memref<5x128x128xf32, #tpu.memory_space<vmem>> -> memref<1x128x128xf32, #tpu.memory_space<vmem>>
      %dma_start3A_381 = tpu.memref_squeeze %dma_start3A_380 : memref<1x128x128xf32, #tpu.memory_space<vmem>> -> memref<128x128xf32, #tpu.memory_space<vmem>>
      %dma_start3A_382 = arith.constant 0 : i32
      %dma_start3A_383 = tpu.memref_slice %arg4[%add3A_375, %dma_start3A_382] : memref<204800x128xf32, #tpu.memory_space<hbm>> -> memref<128x128xf32, #tpu.memory_space<hbm>>
      %dma_start3A_384 = tpu.memref_slice %arg8[%dma_start3A_377] : memref<5x!tpu.dma_semaphore, #tpu.memory_space<semaphore_mem>> -> memref<1x!tpu.dma_semaphore, #tpu.memory_space<semaphore_mem>>
      %dma_start3A_385 = tpu.memref_squeeze %dma_start3A_384 : memref<1x!tpu.dma_semaphore, #tpu.memory_space<semaphore_mem>> -> memref<!tpu.dma_semaphore, #tpu.memory_space<semaphore_mem>>
      %dma_start3A_386 = arith.constant 0 : i32
      %dma_start3A_387 = tpu.memref_slice %arg4[%add3A_375, %dma_start3A_386] : memref<204800x128xf32, #tpu.memory_space<hbm>> -> memref<128x128xf32, #tpu.memory_space<hbm>>
      %dma_start3A_388 = arith.constant 0 : i32
      %dma_start3A_389 = arith.constant 0 : i32
      %dma_start3A_390 = tpu.memref_slice %arg6[%dma_start3A_376, %dma_start3A_388, %dma_start3A_389] : memref<5x128x128xf32, #tpu.memory_space<vmem>> -> memref<1x128x128xf32, #tpu.memory_space<vmem>>
      %dma_start3A_391 = tpu.memref_squeeze %dma_start3A_390 : memref<1x128x128xf32, #tpu.memory_space<vmem>> -> memref<128x128xf32, #tpu.memory_space<vmem>>
      tpu.enqueue_dma source(%dma_start3A_391 : memref<128x128xf32, #tpu.memory_space<vmem>>) target(%dma_start3A_387 : memref<128x128xf32, #tpu.memory_space<hbm>>) target_semaphore(%dma_start3A_385 : memref<!tpu.dma_semaphore, #tpu.memory_space<semaphore_mem>>)
    }
    %scan3A_21 = arith.constant 10 : i32
    %dma_wait3A = arith.constant 0 : i32
    %dma_wait3A_22 = arith.constant 4 : i32
    %dma_wait3A_23 = arith.constant 4 : i32
    %dma_wait3A_24 = arith.constant 0 : i32
    %dma_wait3A_25 = arith.constant 0 : i32
    %dma_wait3A_26 = tpu.memref_slice %arg6[%dma_wait3A_22, %dma_wait3A_24, %dma_wait3A_25] : memref<5x128x128xf32, #tpu.memory_space<vmem>> -> memref<1x128x128xf32, #tpu.memory_space<vmem>>
    %dma_wait3A_27 = tpu.memref_squeeze %dma_wait3A_26 : memref<1x128x128xf32, #tpu.memory_space<vmem>> -> memref<128x128xf32, #tpu.memory_space<vmem>>
    %dma_wait3A_28 = arith.constant 0 : i32
    %dma_wait3A_29 = tpu.memref_slice %arg5[%dma_wait3A, %dma_wait3A_28] : memref<50x128xi32, #tpu.memory_space<vmem>> -> memref<1x128xi32, #tpu.memory_space<vmem>>
    %dma_wait3A_30 = tpu.memref_squeeze %dma_wait3A_29 : memref<1x128xi32, #tpu.memory_space<vmem>> -> memref<128xi32, #tpu.memory_space<vmem>>
    %dma_wait3A_31 = arith.constant 0 : i32
    %dma_wait3A_32 = arith.constant 0 : i32
    %dma_wait3A_33 = tpu.memref_slice %arg3[%dma_wait3A_31, %dma_wait3A_32] : memref<100000x128xf32, #tpu.memory_space<hbm>> -> memref<100000x128xf32, #tpu.memory_space<hbm>>
    %dma_wait3A_34 = tpu.memref_slice %arg7[%dma_wait3A_23] : memref<5x!tpu.dma_semaphore, #tpu.memory_space<semaphore_mem>> -> memref<1x!tpu.dma_semaphore, #tpu.memory_space<semaphore_mem>>
    %dma_wait3A_35 = tpu.memref_squeeze %dma_wait3A_34 : memref<1x!tpu.dma_semaphore, #tpu.memory_space<semaphore_mem>> -> memref<!tpu.dma_semaphore, #tpu.memory_space<semaphore_mem>>
    tpu.wait_indirect_dma semaphore(%dma_wait3A_35 : memref<!tpu.dma_semaphore, #tpu.memory_space<semaphore_mem>>) src(%dma_wait3A_33 : memref<100000x128xf32, #tpu.memory_space<hbm>>) dst(%dma_wait3A_27 : memref<128x128xf32, #tpu.memory_space<vmem>>)
    %add3A_36 = arith.constant 6272 : i32
    %add3A_37 = arith.addi %mul3A_2, %add3A_36 : i32
    %dma_start3A_38 = arith.constant 4 : i32
    %dma_start3A_39 = arith.constant 4 : i32
    %dma_start3A_40 = arith.constant 0 : i32
    %dma_start3A_41 = arith.constant 0 : i32
    %dma_start3A_42 = tpu.memref_slice %arg6[%dma_start3A_38, %dma_start3A_40, %dma_start3A_41] : memref<5x128x128xf32, #tpu.memory_space<vmem>> -> memref<1x128x128xf32, #tpu.memory_space<vmem>>
    %dma_start3A_43 = tpu.memref_squeeze %dma_start3A_42 : memref<1x128x128xf32, #tpu.memory_space<vmem>> -> memref<128x128xf32, #tpu.memory_space<vmem>>
    %dma_start3A_44 = arith.constant 0 : i32
    %dma_start3A_45 = tpu.memref_slice %arg4[%add3A_37, %dma_start3A_44] : memref<204800x128xf32, #tpu.memory_space<hbm>> -> memref<128x128xf32, #tpu.memory_space<hbm>>
    %dma_start3A_46 = tpu.memref_slice %arg8[%dma_start3A_39] : memref<5x!tpu.dma_semaphore, #tpu.memory_space<semaphore_mem>> -> memref<1x!tpu.dma_semaphore, #tpu.memory_space<semaphore_mem>>
    %dma_start3A_47 = tpu.memref_squeeze %dma_start3A_46 : memref<1x!tpu.dma_semaphore, #tpu.memory_space<semaphore_mem>> -> memref<!tpu.dma_semaphore, #tpu.memory_space<semaphore_mem>>
    %dma_start3A_48 = arith.constant 0 : i32
    %dma_start3A_49 = tpu.memref_slice %arg4[%add3A_37, %dma_start3A_48] : memref<204800x128xf32, #tpu.memory_space<hbm>> -> memref<128x128xf32, #tpu.memory_space<hbm>>
    %dma_start3A_50 = arith.constant 0 : i32
    %dma_start3A_51 = arith.constant 0 : i32
    %dma_start3A_52 = tpu.memref_slice %arg6[%dma_start3A_38, %dma_start3A_50, %dma_start3A_51] : memref<5x128x128xf32, #tpu.memory_space<vmem>> -> memref<1x128x128xf32, #tpu.memory_space<vmem>>
    %dma_start3A_53 = tpu.memref_squeeze %dma_start3A_52 : memref<1x128x128xf32, #tpu.memory_space<vmem>> -> memref<128x128xf32, #tpu.memory_space<vmem>>
    tpu.enqueue_dma source(%dma_start3A_53 : memref<128x128xf32, #tpu.memory_space<vmem>>) target(%dma_start3A_49 : memref<128x128xf32, #tpu.memory_space<hbm>>) target_semaphore(%dma_start3A_47 : memref<!tpu.dma_semaphore, #tpu.memory_space<semaphore_mem>>)
    %dma_wait3A_54 = arith.constant 0 : i32
    %dma_wait3A_55 = arith.constant 0 : i32
    %dma_wait3A_56 = arith.constant 0 : i32
    %dma_wait3A_57 = arith.constant 0 : i32
    %dma_wait3A_58 = tpu.memref_slice %arg6[%dma_wait3A_54, %dma_wait3A_56, %dma_wait3A_57] : memref<5x128x128xf32, #tpu.memory_space<vmem>> -> memref<1x128x128xf32, #tpu.memory_space<vmem>>
    %dma_wait3A_59 = tpu.memref_squeeze %dma_wait3A_58 : memref<1x128x128xf32, #tpu.memory_space<vmem>> -> memref<128x128xf32, #tpu.memory_space<vmem>>
    %dma_wait3A_60 = arith.constant 0 : i32
    %dma_wait3A_61 = tpu.memref_slice %arg4[%mul3A_2, %dma_wait3A_60] : memref<204800x128xf32, #tpu.memory_space<hbm>> -> memref<128x128xf32, #tpu.memory_space<hbm>>
    %dma_wait3A_62 = tpu.memref_slice %arg8[%dma_wait3A_55] : memref<5x!tpu.dma_semaphore, #tpu.memory_space<semaphore_mem>> -> memref<1x!tpu.dma_semaphore, #tpu.memory_space<semaphore_mem>>
    %dma_wait3A_63 = tpu.memref_squeeze %dma_wait3A_62 : memref<1x!tpu.dma_semaphore, #tpu.memory_space<semaphore_mem>> -> memref<!tpu.dma_semaphore, #tpu.memory_space<semaphore_mem>>
    %dma_wait3A_64 = arith.constant 0 : i32
    %dma_wait3A_65 = tpu.memref_slice %arg4[%mul3A_2, %dma_wait3A_64] : memref<204800x128xf32, #tpu.memory_space<hbm>> -> memref<128x128xf32, #tpu.memory_space<hbm>>
    %dma_wait3A_66 = arith.constant 0 : i32
    %dma_wait3A_67 = arith.constant 0 : i32
    %dma_wait3A_68 = tpu.memref_slice %arg6[%dma_wait3A_54, %dma_wait3A_66, %dma_wait3A_67] : memref<5x128x128xf32, #tpu.memory_space<vmem>> -> memref<1x128x128xf32, #tpu.memory_space<vmem>>
    %dma_wait3A_69 = tpu.memref_squeeze %dma_wait3A_68 : memref<1x128x128xf32, #tpu.memory_space<vmem>> -> memref<128x128xf32, #tpu.memory_space<vmem>>
    tpu.wait_dma2 semaphore(%dma_wait3A_63 : memref<!tpu.dma_semaphore, #tpu.memory_space<semaphore_mem>>) src(%dma_wait3A_69 : memref<128x128xf32, #tpu.memory_space<vmem>>) dst(%dma_wait3A_65 : memref<128x128xf32, #tpu.memory_space<hbm>>)
    %dma_wait3A_70 = arith.constant 1 : i32
    %dma_wait3A_71 = arith.constant 1 : i32
    %dma_wait3A_72 = arith.constant 0 : i32
    %dma_wait3A_73 = arith.constant 0 : i32
    %dma_wait3A_74 = tpu.memref_slice %arg6[%dma_wait3A_70, %dma_wait3A_72, %dma_wait3A_73] : memref<5x128x128xf32, #tpu.memory_space<vmem>> -> memref<1x128x128xf32, #tpu.memory_space<vmem>>
    %dma_wait3A_75 = tpu.memref_squeeze %dma_wait3A_74 : memref<1x128x128xf32, #tpu.memory_space<vmem>> -> memref<128x128xf32, #tpu.memory_space<vmem>>
    %dma_wait3A_76 = arith.constant 0 : i32
    %dma_wait3A_77 = tpu.memref_slice %arg4[%mul3A_2, %dma_wait3A_76] : memref<204800x128xf32, #tpu.memory_space<hbm>> -> memref<128x128xf32, #tpu.memory_space<hbm>>
    %dma_wait3A_78 = tpu.memref_slice %arg8[%dma_wait3A_71] : memref<5x!tpu.dma_semaphore, #tpu.memory_space<semaphore_mem>> -> memref<1x!tpu.dma_semaphore, #tpu.memory_space<semaphore_mem>>
    %dma_wait3A_79 = tpu.memref_squeeze %dma_wait3A_78 : memref<1x!tpu.dma_semaphore, #tpu.memory_space<semaphore_mem>> -> memref<!tpu.dma_semaphore, #tpu.memory_space<semaphore_mem>>
    %dma_wait3A_80 = arith.constant 0 : i32
    %dma_wait3A_81 = tpu.memref_slice %arg4[%mul3A_2, %dma_wait3A_80] : memref<204800x128xf32, #tpu.memory_space<hbm>> -> memref<128x128xf32, #tpu.memory_space<hbm>>
    %dma_wait3A_82 = arith.constant 0 : i32
    %dma_wait3A_83 = arith.constant 0 : i32
    %dma_wait3A_84 = tpu.memref_slice %arg6[%dma_wait3A_70, %dma_wait3A_82, %dma_wait3A_83] : memref<5x128x128xf32, #tpu.memory_space<vmem>> -> memref<1x128x128xf32, #tpu.memory_space<vmem>>
    %dma_wait3A_85 = tpu.memref_squeeze %dma_wait3A_84 : memref<1x128x128xf32, #tpu.memory_space<vmem>> -> memref<128x128xf32, #tpu.memory_space<vmem>>
    tpu.wait_dma2 semaphore(%dma_wait3A_79 : memref<!tpu.dma_semaphore, #tpu.memory_space<semaphore_mem>>) src(%dma_wait3A_85 : memref<128x128xf32, #tpu.memory_space<vmem>>) dst(%dma_wait3A_81 : memref<128x128xf32, #tpu.memory_space<hbm>>)
    %dma_wait3A_86 = arith.constant 2 : i32
    %dma_wait3A_87 = arith.constant 2 : i32
    %dma_wait3A_88 = arith.constant 0 : i32
    %dma_wait3A_89 = arith.constant 0 : i32
    %dma_wait3A_90 = tpu.memref_slice %arg6[%dma_wait3A_86, %dma_wait3A_88, %dma_wait3A_89] : memref<5x128x128xf32, #tpu.memory_space<vmem>> -> memref<1x128x128xf32, #tpu.memory_space<vmem>>
    %dma_wait3A_91 = tpu.memref_squeeze %dma_wait3A_90 : memref<1x128x128xf32, #tpu.memory_space<vmem>> -> memref<128x128xf32, #tpu.memory_space<vmem>>
    %dma_wait3A_92 = arith.constant 0 : i32
    %dma_wait3A_93 = tpu.memref_slice %arg4[%mul3A_2, %dma_wait3A_92] : memref<204800x128xf32, #tpu.memory_space<hbm>> -> memref<128x128xf32, #tpu.memory_space<hbm>>
    %dma_wait3A_94 = tpu.memref_slice %arg8[%dma_wait3A_87] : memref<5x!tpu.dma_semaphore, #tpu.memory_space<semaphore_mem>> -> memref<1x!tpu.dma_semaphore, #tpu.memory_space<semaphore_mem>>
    %dma_wait3A_95 = tpu.memref_squeeze %dma_wait3A_94 : memref<1x!tpu.dma_semaphore, #tpu.memory_space<semaphore_mem>> -> memref<!tpu.dma_semaphore, #tpu.memory_space<semaphore_mem>>
    %dma_wait3A_96 = arith.constant 0 : i32
    %dma_wait3A_97 = tpu.memref_slice %arg4[%mul3A_2, %dma_wait3A_96] : memref<204800x128xf32, #tpu.memory_space<hbm>> -> memref<128x128xf32, #tpu.memory_space<hbm>>
    %dma_wait3A_98 = arith.constant 0 : i32
    %dma_wait3A_99 = arith.constant 0 : i32
    %dma_wait3A_100 = tpu.memref_slice %arg6[%dma_wait3A_86, %dma_wait3A_98, %dma_wait3A_99] : memref<5x128x128xf32, #tpu.memory_space<vmem>> -> memref<1x128x128xf32, #tpu.memory_space<vmem>>
    %dma_wait3A_101 = tpu.memref_squeeze %dma_wait3A_100 : memref<1x128x128xf32, #tpu.memory_space<vmem>> -> memref<128x128xf32, #tpu.memory_space<vmem>>
    tpu.wait_dma2 semaphore(%dma_wait3A_95 : memref<!tpu.dma_semaphore, #tpu.memory_space<semaphore_mem>>) src(%dma_wait3A_101 : memref<128x128xf32, #tpu.memory_space<vmem>>) dst(%dma_wait3A_97 : memref<128x128xf32, #tpu.memory_space<hbm>>)
    %dma_wait3A_102 = arith.constant 3 : i32
    %dma_wait3A_103 = arith.constant 3 : i32
    %dma_wait3A_104 = arith.constant 0 : i32
    %dma_wait3A_105 = arith.constant 0 : i32
    %dma_wait3A_106 = tpu.memref_slice %arg6[%dma_wait3A_102, %dma_wait3A_104, %dma_wait3A_105] : memref<5x128x128xf32, #tpu.memory_space<vmem>> -> memref<1x128x128xf32, #tpu.memory_space<vmem>>
    %dma_wait3A_107 = tpu.memref_squeeze %dma_wait3A_106 : memref<1x128x128xf32, #tpu.memory_space<vmem>> -> memref<128x128xf32, #tpu.memory_space<vmem>>
    %dma_wait3A_108 = arith.constant 0 : i32
    %dma_wait3A_109 = tpu.memref_slice %arg4[%mul3A_2, %dma_wait3A_108] : memref<204800x128xf32, #tpu.memory_space<hbm>> -> memref<128x128xf32, #tpu.memory_space<hbm>>
    %dma_wait3A_110 = tpu.memref_slice %arg8[%dma_wait3A_103] : memref<5x!tpu.dma_semaphore, #tpu.memory_space<semaphore_mem>> -> memref<1x!tpu.dma_semaphore, #tpu.memory_space<semaphore_mem>>
    %dma_wait3A_111 = tpu.memref_squeeze %dma_wait3A_110 : memref<1x!tpu.dma_semaphore, #tpu.memory_space<semaphore_mem>> -> memref<!tpu.dma_semaphore, #tpu.memory_space<semaphore_mem>>
    %dma_wait3A_112 = arith.constant 0 : i32
    %dma_wait3A_113 = tpu.memref_slice %arg4[%mul3A_2, %dma_wait3A_112] : memref<204800x128xf32, #tpu.memory_space<hbm>> -> memref<128x128xf32, #tpu.memory_space<hbm>>
    %dma_wait3A_114 = arith.constant 0 : i32
    %dma_wait3A_115 = arith.constant 0 : i32
    %dma_wait3A_116 = tpu.memref_slice %arg6[%dma_wait3A_102, %dma_wait3A_114, %dma_wait3A_115] : memref<5x128x128xf32, #tpu.memory_space<vmem>> -> memref<1x128x128xf32, #tpu.memory_space<vmem>>
    %dma_wait3A_117 = tpu.memref_squeeze %dma_wait3A_116 : memref<1x128x128xf32, #tpu.memory_space<vmem>> -> memref<128x128xf32, #tpu.memory_space<vmem>>
    tpu.wait_dma2 semaphore(%dma_wait3A_111 : memref<!tpu.dma_semaphore, #tpu.memory_space<semaphore_mem>>) src(%dma_wait3A_117 : memref<128x128xf32, #tpu.memory_space<vmem>>) dst(%dma_wait3A_113 : memref<128x128xf32, #tpu.memory_space<hbm>>)
    %dma_wait3A_118 = arith.constant 4 : i32
    %dma_wait3A_119 = arith.constant 4 : i32
    %dma_wait3A_120 = arith.constant 0 : i32
    %dma_wait3A_121 = arith.constant 0 : i32
    %dma_wait3A_122 = tpu.memref_slice %arg6[%dma_wait3A_118, %dma_wait3A_120, %dma_wait3A_121] : memref<5x128x128xf32, #tpu.memory_space<vmem>> -> memref<1x128x128xf32, #tpu.memory_space<vmem>>
    %dma_wait3A_123 = tpu.memref_squeeze %dma_wait3A_122 : memref<1x128x128xf32, #tpu.memory_space<vmem>> -> memref<128x128xf32, #tpu.memory_space<vmem>>
    %dma_wait3A_124 = arith.constant 0 : i32
    %dma_wait3A_125 = tpu.memref_slice %arg4[%mul3A_2, %dma_wait3A_124] : memref<204800x128xf32, #tpu.memory_space<hbm>> -> memref<128x128xf32, #tpu.memory_space<hbm>>
    %dma_wait3A_126 = tpu.memref_slice %arg8[%dma_wait3A_119] : memref<5x!tpu.dma_semaphore, #tpu.memory_space<semaphore_mem>> -> memref<1x!tpu.dma_semaphore, #tpu.memory_space<semaphore_mem>>
    %dma_wait3A_127 = tpu.memref_squeeze %dma_wait3A_126 : memref<1x!tpu.dma_semaphore, #tpu.memory_space<semaphore_mem>> -> memref<!tpu.dma_semaphore, #tpu.memory_space<semaphore_mem>>
    %dma_wait3A_128 = arith.constant 0 : i32
    %dma_wait3A_129 = tpu.memref_slice %arg4[%mul3A_2, %dma_wait3A_128] : memref<204800x128xf32, #tpu.memory_space<hbm>> -> memref<128x128xf32, #tpu.memory_space<hbm>>
    %dma_wait3A_130 = arith.constant 0 : i32
    %dma_wait3A_131 = arith.constant 0 : i32
    %dma_wait3A_132 = tpu.memref_slice %arg6[%dma_wait3A_118, %dma_wait3A_130, %dma_wait3A_131] : memref<5x128x128xf32, #tpu.memory_space<vmem>> -> memref<1x128x128xf32, #tpu.memory_space<vmem>>
    %dma_wait3A_133 = tpu.memref_squeeze %dma_wait3A_132 : memref<1x128x128xf32, #tpu.memory_space<vmem>> -> memref<128x128xf32, #tpu.memory_space<vmem>>
    tpu.wait_dma2 semaphore(%dma_wait3A_127 : memref<!tpu.dma_semaphore, #tpu.memory_space<semaphore_mem>>) src(%dma_wait3A_133 : memref<128x128xf32, #tpu.memory_space<vmem>>) dst(%dma_wait3A_129 : memref<128x128xf32, #tpu.memory_space<hbm>>)
    return
  }
}

</mosaic_0001>

<sc_bundles>
// kernel: _emb.3.cloned.1.call-start
scs
__scs_entry_jumppad:
0x0: {  	(pc) =	sbr.rel $0x88, $3  }
0x1: {  	(tag) =	ssettag $0x0;
	lr =	simm.s32 $0x1  }
0x2: {  	[smem:$0x3F9F] =	sst lr;
	_ =	strace $0xD0000000  }
0x3: {  	_ = 	snop  }
0x4: {  	_ = 	snop  }
0x5: {  	_ = 	snop  }
0x6: {  	_ = 	snop  }
0x7: {  	_ = 	snop  }
__scs_overlays_trampoline_lowered:
0x8: {  	[smem:$0x3FAE] =	sst s0  }
0x9: {  	[smem:$0x3FAF] =	sst s1  }
0xa: {  	[smem:$0x3FB0] =	sst s2  }
0xb: {  	[smem:$0x3FB1] =	sst s3  }
0xc: {  	[smem:$0x3FB2] =	sst s4  }
0xd: {  	[smem:$0x3FB3] =	sst s5  }
0xe: {  	[smem:$0x3FB4] =	sst s6  }
0xf: {  	[smem:$0x3FB5] =	sst s7  }
0x10: {  	[smem:$0x3FB6] =	sst s8  }
0x11: {  	[smem:$0x3FB7] =	sst s9;
	s0 =	simm.s32 @!p0 $0x0  }
0x12: {  	s1 =	sld [smem:$0x3F9D];
	s0 =	simm.s32 @p0 $0x1  }
0x13: {  	[smem:$0x3FB8] =	sst s0;
	s0 =	simm.s32 @!p1 $0x0  }
0x14: {  	s2 =	sld [smem:$0x3F9C];
	s0 =	simm.s32 @p1 $0x1  }
0x15: {  	[smem:$0x3FB9] =	sst s0;
	s0 =	simm.s32 @!p2 $0x0  }
0x16: {  	s3 =	sld [smem:$0x3FDB];
	s0 =	simm.s32 @p2 $0x1  }
0x17: {  	s4 =	simm.s32 $0x1BF5;
	[smem:$0x3FBB] =	sst s0  }
0x18: {  	s0 =	sld [smem:$0x3F9E];
	_ =	swait.ge [sflag:s4], $0x0  }
0x19: {  	s7 =	sld [smem:$0x3F9F]  }
0x1a: {  	s8 =	sadd.s32 $0xFFFFE003, lr  }
0x1b: {  	s9 =	sadd.s32 $0xFFFFFEF7, lr;
	s5 =	simm.s32 $0xFFFFFFFF;
	p2 =	slt.u32 s8, $0xFFFFF086  }
0x1c: {  	p1 =	slt.u32 s9, $0xF7A;
	s5 =	simm.s32 @!p2 $0x0  }
0x1d: {  	s5 =	simm.s32 @p1 $0x1;
	p0 =	seq.s32 s7, s2  }
0x1e: {  	s7 =	smul.u32 @!p0 $0xF7A, s2;
	p2 =	seq.s32 @!p0 s5, $0x0  }
0x1f: {  	s9 =	smul.u32 $0xF7A, s1;
	s8 =	simm.s32 @!p0 $0x1BF5;
	p2 =	por !p2, p0  }
0x20: {  	[sflag:s8] =	ssyncset.s32 @!p0 $0xFFFFF086;
	s6 =	sadd.s32 @!p0 s3, s7;
	s7 =	simm.s32 @!p0 $0x108  }
0x21: {  	s3 =	sadd.s32 s3, s9;
	s6 =	sadd.s32 @!p0 $0x88, s6;
	s7 =	simm.s32 @p2 $0x1082  }
0x22: {  	[simem:s7], [sflag:s8] =	dma.local @!p0 [hbm:s6], $0xF7A  }
0x23: {  	s9 =	sor.u32 $0xD0000000, s2;
	s6 =	simm.s32 $0x108;
	_ =	swait.ge @!p0 [sflag:s8], $0x0  }
0x24: {  	s3 =	sadd.s32 $0x88, s3;
	s6 =	simm.s32 @!p1 $0x1082;
	[sflag:s4] =	ssyncset.s32 $0xFFFFF086  }
0x25: {  	[simem:s6], [sflag:s4] =	dma.local [hbm:s3], $0xF7A  }
0x26: {  	[smem:$0x3F9F] =	sst s1;
	(tag) =	ssettag s2;
	_ =	strace s9  }
0x27: {  	s1 =	sld [smem:$0x3FAF]  }
0x28: {  	s2 =	sld [smem:$0x3FB0]  }
0x29: {  	s4 =	sld [smem:$0x3FB2]  }
0x2a: {  	p0 =	seq.s32 s5, $0x0;
	s5 =	sld [smem:$0x3FB3]  }
0x2b: {  	s6 =	sld [smem:$0x3FB4]  }
0x2c: {  	s7 =	sld [smem:$0x3FB5]  }
0x2d: {  	s3 =	simm.s32 $0x108;
	s8 =	sld [smem:$0x3FB6]  }
0x2e: {  	s3 =	simm.s32 @!p0 $0x1082;
	s9 =	sld [smem:$0x3FB7]  }
0x2f: {  	lr =	sadd.s32 s0, s3;
	s0 =	sld [smem:$0x3FAE]  }
0x30: {  	s3 =	sld [smem:$0x3FB1]  }
0x31: {  	[smem:$0x3FBA] =	sst s10  }
0x32: {  	s10 =	sld [smem:$0x3FB8];
	_ =	sdelay $0x3  }
0x33: {  	p0 =	seq.s32 s10, $0x1;
	s10 =	sld [smem:$0x3FBA];
	_ =	sdelay $0x3  }
0x34: {  	[smem:$0x3FBA] =	sst s10  }
0x35: {  	s10 =	sld [smem:$0x3FB9];
	_ =	sdelay $0x3  }
0x36: {  	p1 =	seq.s32 s10, $0x1;
	s10 =	sld [smem:$0x3FBA];
	_ =	sdelay $0x3  }
0x37: {  	[smem:$0x3FBA] =	sst s10  }
0x38: {  	s10 =	sld [smem:$0x3FBB]  }
0x39: {  	_ = 	snop;
	(pc) =	sbr.ind lr, $3  }
0x3a: {  	_ = 	snop  }
0x3b: {  	_ = 	snop  }
0x3c: {  	p2 =	seq.s32 s10, $0x1;
	s10 =	sld [smem:$0x3FBA]  }
0x3d: {  	_ =	shalt  }
0x3e: {  	_ =	shalt  }
0x3f: {  	_ =	shalt  }
0x40: {  	_ =	shalt  }
0x41: {  	_ =	shalt  }
0x42: {  	_ =	shalt  }
0x43: {  	_ =	shalt  }
0x44: {  	_ =	shalt  }
0x45: {  	_ =	shalt  }
0x46: {  	_ =	shalt  }
0x47: {  	_ =	shalt  }
0x48: {  	_ =	shalt  }
0x49: {  	_ =	shalt  }
0x4a: {  	_ =	shalt  }
0x4b: {  	_ =	shalt  }
0x4c: {  	_ =	shalt  }
0x4d: {  	_ =	shalt  }
0x4e: {  	_ =	shalt  }
0x4f: {  	_ =	shalt  }
0x50: {  	_ =	shalt  }
0x51: {  	_ =	shalt  }
0x52: {  	_ =	shalt  }
0x53: {  	_ =	shalt  }
0x54: {  	_ =	shalt  }
0x55: {  	_ =	shalt  }
0x56: {  	_ =	shalt  }
0x57: {  	_ =	shalt  }
0x58: {  	_ =	shalt  }
0x59: {  	_ =	shalt  }
0x5a: {  	_ =	shalt  }
0x5b: {  	_ =	shalt  }
0x5c: {  	_ =	shalt  }
0x5d: {  	_ =	shalt  }
0x5e: {  	_ =	shalt  }
0x5f: {  	_ =	shalt  }
0x60: {  	_ =	shalt  }
0x61: {  	_ =	shalt  }
0x62: {  	_ =	shalt  }
0x63: {  	_ =	shalt  }
0x64: {  	_ =	shalt  }
0x65: {  	_ =	shalt  }
0x66: {  	_ =	shalt  }
0x67: {  	_ =	shalt  }
0x68: {  	_ =	shalt  }
0x69: {  	_ =	shalt  }
0x6a: {  	_ =	shalt  }
0x6b: {  	_ =	shalt  }
0x6c: {  	_ =	shalt  }
0x6d: {  	_ =	shalt  }
0x6e: {  	_ =	shalt  }
0x6f: {  	_ =	shalt  }
0x70: {  	_ =	shalt  }
0x71: {  	_ =	shalt  }
0x72: {  	_ =	shalt  }
0x73: {  	_ =	shalt  }
0x74: {  	_ =	shalt  }
0x75: {  	_ =	shalt  }
0x76: {  	_ =	shalt  }
0x77: {  	_ =	shalt  }
0x78: {  	_ =	shalt  }
0x79: {  	_ =	shalt  }
0x7a: {  	_ =	shalt  }
0x7b: {  	_ =	shalt  }
0x7c: {  	_ =	shalt  }
0x7d: {  	_ =	shalt  }
0x7e: {  	_ =	shalt  }
0x7f: {  	_ =	shalt  }
0x80: {  	_ =	shalt  }
0x81: {  	_ =	shalt  }
0x82: {  	_ =	shalt  }
0x83: {  	_ =	shalt  }
0x84: {  	_ =	shalt  }
0x85: {  	_ =	shalt  }
0x86: {  	_ =	shalt  }
0x87: {  	_ =	shalt  }
.Lfunc_end0:
.L_simem_size_0:
called_computation_lowered:
.L_overlay_start_0:
0x88: {  	s2 =	sld [smem:$0x3FD9]  }
0x89: {  	s3 =	sld [smem:$0x3FFE];
	_ =	sdelay $0x1  }
0x8a: {  	s1 =	srdreg.scid  }
0x8b: {  	s0 =	sand.u32 $0x1, s1  }
0x8c: {  	s17 =	sshll.u32 s0, $0xA;
	s2 =	sadd.s32 s3, s2  }
0x8d: {  	s2 =	sadd.s32 s2, s17  }
0x8e: {  	[smem:$0x3FC6] =	sst s2  }
0x8f: {  	_ = 	snop  }
0x90: {  	s2 =	sld [smem:$0x3FC8]  }
0x91: {  	s18 =	sld [smem:$0x3FD0];
	(tm) =	ssettm $0x1  }
0x92: {  	s4 =	sld [smem:$0x3FFB];
	_ =	sdelay $0x3  }
0x93: {  	_ =	strace s4  }
0x94: {  	s4 =	sld [smem:$0x3FFC];
	_ =	sdelay $0x3  }
0x95: {  	_ =	strace s4  }
0x96: {  	s4 =	sld [smem:$0x3FFD];
	_ =	sdelay $0x3  }
0x97: {  	_ =	strace s4  }
0x98: {  	_ =	strace $0x8FFFFFFF  }
0x99: {  	s19 =	sld [smem:$0x3FDB];
	_ =	sdelay $0x1  }
0x9a: {  	s5 =	simm.s32 $_scs_section_size  }
0x9b: {  	s6 =	simm.s32 $_size__tile_overlayer_lowered;
	s7 =	simm.s32 $_tile_overlayer_lowered  }
0x9c: {  	s22 =	simm.s32 $0x1BFF;
	s21 =	sshll.u32 s7, $0x1;
	s4 =	sadd.s32 s5, s19  }
0x9d: {  	s8 =	simm.s32 $0x0;
	s20 =	sshll.u32 s6, $0x1;
	s6 =	sadd.s32 s21, s4  }
0x9e: {  	[timem:s8], [sflag:s22] =	dma.local [hbm:s6], s20  }
0x9f: {  	_ =	swait.ge [sflag:s22], s20  }
0xa0: {  	s5 =	ssub.s32 $0x0, s20;
	[sflag:s22] =	ssyncset.done $0x0  }
0xa1: {  	[sflag:s22] =	ssyncadd.s32 s5;
	_ =	sdelay $0x1  }
0xa2: {  	s23 =	simm.s32 $0x1B8B  }
0xa3: {  	_ =	swait.ge [sflag:s23], $0x1  }
0xa4: {  	[sflag:s23] =	ssyncset.done $0x0  }
0xa5: {  	s25 =	simm.s32 $0x1B8E;
	s24 =	sld [smem:$0x3FFE];
	[sflag:s23] =	ssyncadd.s32 $0xFFFFFFFF  }
0xa6: {  	s26 =	simm.s32 $execute0_lowered;
	[smem:$0x3FD2] =	sst s25  }
0xa7: {  	s6 =	sshll.u32 s26, $0x1;
	_ =	strace $0x80000046;
	[dreg:$0x1] =	wrdreg $0xFFFFFFFF  }
0xa8: {  	s28 =	simm.s32 $_size_execute0_lowered;
	s4 =	sadd.s32 s4, s6;
	[dreg:$0x0] =	wrdreg $0x0  }
0xa9: {  	s6 =	sshll.u32 s28, $0x1;
	[dreg:$0x2] =	wrdreg s4  }
0xaa: {  	[dreg:$0x3] =	wrdreg s6  }
0xab: {  	[dreg:$0x4] =	wrdreg $0xC0  }
0xac: {  	_ =	task [dreg:s8], $0x5FFFF  }
0xad: {  	[dreg:$0x1] =	wrdreg $0xFFFFFFFF  }
0xae: {  	[dreg:$0x0] =	wrdreg $0x60  }
0xaf: {  	[dreg:$0x2] =	wrdreg s24  }
0xb0: {  	[dreg:$0x3] =	wrdreg s2  }
0xb1: {  	[dreg:$0x4] =	wrdreg s18  }
0xb2: {  	[dreg:$0x5] =	wrdreg $0x9  }
0xb3: {  	_ =	task.clear_ibuf [dreg:s8], $0x6FFFF;
	_ =	strace $0x90000046  }
0xb4: {  	s29 =	simm.s32 $0x9;
	_ =	strace $0x80000048  }
0xb5: {  	_ =	swait.ge [sflag:s29], $0x1  }
0xb6: {  	[sflag:s29] =	ssyncadd.s32 $0xFFFFFFFF  }
0xb7: {  	_ =	strace $0x90000048  }
0xb8: {  	_ =	sfence  }
0xb9: {  	s30 =	sld [smem:$0x0];
	_ =	sdelay $0x2  }
0xba: {  	s31 =	sshll.u32 s1, $0xD;
	s1 =	sshrl.u32 s1, $0x2  }
0xbb: {  	s3 =	sand.u32 $0x4000, s31;
	s1 =	sadd.s32 s1, s30  }
0xbc: {  	s0 =	sor.u32 s3, s0;
	s1 =	sshll.u32 s1, $0x11  }
0xbd: {  	s0 =	sor.u32 s1, s0  }
0xbe: {  	s0 =	sadd.s32 $0x8F2B, s0  }
0xbf: {  	[sflag:s0] =	ssyncadd.remote.s32 $0x1  }
0xc0: {  	_ =	sfence.sel $0xFFFF  }
0xc1: {  	[dreg:$0x0] =	wrdreg $0xFFFFFFFF;
	(pc) =	sbr.abs _section_cstart, $3  }
0xc2: {  	[dreg:$0x1] =	wrdreg $0xFFFFFFFF  }
0xc3: {  	_ =	task.clear_ibuf [dreg:s8], $0x2FFFF;
	_ =	strace $0x9FFFFFFF  }
0xc4: {  	(tm) =	ssettm $0x7FFFFFFF  }
0xc5: {  	_ =	shalt  }
tec
execute0_lowered:
.L_overlay_start_1:
0x0: {  	(tag) =	ssettag $0x1  }
0x1: {  	s0 =	rddreg [dreg:$0x0]  }
0x2: {  	s2 =	rddreg [dreg:$0x1];
	s1 =	srdreg.scid  }
0x3: {  	s9 =	stileid.u32;
	s3 =	rddreg [dreg:$0x2]  }
0x4: {  	s4 =	simm.s32 $0x0;
	s11 =	simm.s32 $0x80;
	s12 =	simm.s32 $0x1C00  }
0x5: {  	s13 =	simm.s32 $0x9C00;
	s14 =	simm.s32 $0x1;
	s15 =	simm.s32 $0xDC00  }
0x6: {  	s31 =	simm.s32 $0x5C00;
	s16 =	simm.s32 $0x2;
	s17 =	simm.s32 $0x11C00  }
0x7: {  	s18 =	simm.s32 $0x3;
	s19 =	simm.s32 $0x4;
	s1 =	sand.u32 $0x1, s1  }
0x8: {  	s5 =	sshll.u32 s9, $0x1;
	[smem:$0x7FF] =	sst s4;
	s9 =	smul.u32 $0x32000, s9  }
0x9: {  	s5 =	sor.u32 s1, s5;
	s7 =	ssub.s32 $0x2, s1;
	s1 =	smul.u32 $0x19000, s1  }
0xa: {  	_ =	strace $0x80000047;
	[dreg:$0x4] =	wrdreg s31;
	s6 =	smul.u32 $0x380, s5  }
0xb: {  	s8 =	smul.u32 $0xC8000, s5;
	s24 =	sshrl.u32 s7, $0x1;
	s28 =	sadd.s32 s9, s3  }
0xc: {  	s7 =	ssub.s32 s7, s24;
	s29 =	sadd.s32 s1, s28;
	s0 =	sadd.s32 s6, s0  }
0xd: {  	s25 =	sshrl.u32 s8, $0x3;
	s6 =	smul.u32 $0x1900, s5;
	s30 =	smax.u32 s7, $0x1  }
0xe: {  	s0 =	sadd.s32 $0x400, s0;
	s26 =	sadd.s32 s3, s25;
	[dreg:$0x7] =	wrdreg s30  }
0xf: {  	s9 =	sadd.s32 $0xFFFFF800, s29;
	[dreg:$0x5] =	wrdreg s0;
	s0 =	sadd.s32 $0x18800, s26  }
0x10: {  	s25 =	simm.s32 $0xA;
	s26 =	simm.s32 $0x0;
	[dreg:$0x6] =	wrdreg s0  }
.LBB2_1:
0x11: {  	s0 =	rddreg [dreg:$0x5];
	s22 =	simm.s32 $0xB  }
0x12: {  	[tilespmem:s4], [sflag:$0xB] =	stream.linear.gather [hbm4b:s0+s4], $0x1900, $0x38;
	[tilespmem:$0x15C00] =	vst v63  }
0x13: {  	p0 =	por $0x0, $0x0;
	_ =	swait.ge [sflag:s22], $0x1900  }
0x14: {  	p1 =	por p0, p0;
	[sflag:s22] =	ssyncset.done $0x0  }
0x15: {  	s0 =	simm.s32 @p1 $0x7;
	[sflag:s22] =	ssyncadd.s32 $0xFFFFE700  }
0x16: {  	[tilespmem:s12], [sflag:$0x1] =	stream.indirect.gather [hbm4b:s2+s11], $0x80, s4, s11, $0xb8;
	[tilespmem:$0x15C00] =	vst v63  }
0x17: {  	_ =	swait.ge @p1 [sflag:s0], $0x4000  }
0x18: {  	s1 =	simm.s32 @p0 $0x80;
	s5 =	simm.s32 @p1 $0x5;
	[sflag:s0] =	ssyncset.done @p1 $0x0  }
0x19: {  	s7 =	simm.s32 @p1 $0x5C00;
	[sflag:s0] =	ssyncadd.s32 @p1 $0xFFFFC000;
	s0 =	simm.s32 @p1 $0x80  }
0x1a: {  	[tilespmem:s7], [sflag:$0x2] =	stream.indirect.gather @p1 [hbm4b:s2+s0], $0x80, s1, s0, $0xb8;
	[tilespmem:$0x15C00] =	vst v63  }
0x1b: {  	_ =	swait.ge @p1 [sflag:s5], $0x4000  }
0x1c: {  	s0 =	simm.s32 @p1 $0x8;
	[sflag:s5] =	ssyncset.done @p1 $0x0  }
0x1d: {  	s1 =	simm.s32 @p1 $0x0;
	[sflag:s5] =	ssyncadd.s32 @p1 $0xFFFFC000;
	s5 =	simm.s32 @p1 $0x11C00  }
0x1e: {  	[hbm4b:s9+s1] =	stream.linear.scatter @p1 [tilespmem:s5], [sflag:$0xA], $0x4000, $0x38;
	[tilespmem:$0x15C00] =	vst v63  }
0x1f: {  	_ =	swait.ge @p1 [sflag:s0], $0x4000  }
0x20: {  	s1 =	simm.s32 $0x0;
	s5 =	simm.s32 @!p1 $0x5C00;
	[sflag:s0] =	ssyncset.done @p1 $0x0  }
0x21: {  	s1 =	simm.s32 @!p0 $0x0;
	[sflag:s0] =	ssyncadd.s32 @p1 $0xFFFFC000;
	s0 =	simm.s32 @!p1 $0x80  }
0x22: {  	[tilespmem:s5], [sflag:$0x2] =	stream.indirect.gather @!p1 [hbm4b:s2+s0], $0x80, s0, s0, $0xb8;
	[tilespmem:$0x15C00] =	vst v63  }
0x23: {  	s28 =	simm.s32 $0xA00;
	s29 =	simm.s32 $0x280;
	s5 =	sadd.s32 $0x100, s1  }
0x24: {  	[tilespmem:s13], [sflag:$0x3] =	stream.indirect.gather [hbm4b:s2+s11], $0x80, s5, s11, $0xb8;
	[tilespmem:$0x15C00] =	vst v63  }
0x25: {  	s23 =	sadd.s32 s6, s1;
	s10 =	sadd.s32 $0x180, s1;
	_ =	swait.ge [sflag:s14], $0x4000  }
0x26: {  	s0 =	sshll.u32 s23, $0x4;
	p1 =	por $0x1, $0x1;
	[sflag:s14] =	ssyncset.done $0x0  }
0x27: {  	s0 =	sadd.s32 s3, s0;
	s7 =	simm.s32 @!p1 $0x9;
	[sflag:s14] =	ssyncadd.s32 $0xFFFFC000  }
0x28: {  	[hbm4b:s0+s4] =	stream.linear.scatter [tilespmem:s12], [sflag:$0x6], $0x4000, $0x38;
	[tilespmem:$0x15C00] =	vst v63  }
0x29: {  	s1 =	simm.s32 $0x1400;
	s23 =	simm.s32 $0x200;
	_ =	swait.ge @!p1 [sflag:s7], $0x4000  }
0x2a: {  	s21 =	simm.s32 @!p1 $0xA;
	s0 =	simm.s32 @p0 $0x80;
	[sflag:s7] =	ssyncset.done @!p1 $0x0  }
0x2b: {  	s5 =	sadd.s32 s6, s5;
	s0 =	simm.s32 @!p0 $0x80;
	[sflag:s7] =	ssyncadd.s32 @!p1 $0xFFFFC000  }
0x2c: {  	[tilespmem:s15], [sflag:$0x4] =	stream.indirect.gather [hbm4b:s2+s11], $0x80, s10, s11, $0xb8;
	[tilespmem:$0x15C00] =	vst v63  }
0x2d: {  	s5 =	sshll.u32 s5, $0x4;
	s0 =	sadd.s32 s6, s0;
	_ =	swait.ge [sflag:s16], $0x4000  }
0x2e: {  	p0 =	por $0x1, $0x1;
	s8 =	sshll.u32 s0, $0x4;
	[sflag:s16] =	ssyncset.done $0x0  }
0x2f: {  	s8 =	sadd.s32 s3, s8;
	s24 =	rddreg [dreg:$0x4];
	[sflag:s16] =	ssyncadd.s32 $0xFFFFC000  }
0x30: {  	[hbm4b:s8+s4] =	stream.linear.scatter [tilespmem:s24], [sflag:$0x7], $0x4000, $0x38;
	[tilespmem:$0x15C00] =	vst v63  }
0x31: {  	s5 =	sadd.s32 s3, s5;
	s29 =	simm.s32 @!p0 $0x0;
	_ =	swait.ge @!p1 [sflag:s21], $0x4000  }
0x32: {  	s20 =	simm.s32 @p0 $0x300;
	s0 =	simm.s32 @p0 $0x300;
	[sflag:s21] =	ssyncset.done @!p1 $0x0  }
0x33: {  	s20 =	simm.s32 @!p0 $0x80;
	p0 =	por p0, p0;
	[sflag:s21] =	ssyncadd.s32 @!p1 $0xFFFFC000  }
0x34: {  	[tilespmem:s17], [sflag:$0x5] =	stream.indirect.gather [hbm4b:s2+s11], $0x80, s23, s11, $0xb8;
	[tilespmem:$0x15C00] =	vst v63  }
0x35: {  	s22 =	sadd.s32 s6, s20;
	s8 =	sadd.s32 s6, s29;
	_ =	swait.ge [sflag:s18], $0x4000  }
0x36: {  	s24 =	sadd.s32 s6, s10;
	p1 =	por $0x0, $0x0;
	[sflag:s18] =	ssyncset.done $0x0  }
0x37: {  	s31 =	sshll.u32 s8, $0x4;
	s8 =	simm.s32 @!p1 $0x6;
	[sflag:s18] =	ssyncadd.s32 $0xFFFFC000  }
0x38: {  	[hbm4b:s5+s4] =	stream.linear.scatter [tilespmem:s13], [sflag:$0x8], $0x4000, $0x38;
	[tilespmem:$0x15C00] =	vst v63  }
0x39: {  	s30 =	sshll.u32 s22, $0x4;
	s7 =	sshll.u32 s24, $0x4;
	_ =	swait.ge @!p1 [sflag:s8], $0x4000  }
0x3a: {  	s7 =	sadd.s32 s3, s7;
	s10 =	simm.s32 @!p1 $0x1C00;
	[sflag:s8] =	ssyncset.done @!p1 $0x0  }
0x3b: {  	s20 =	simm.s32 @!p1 $0x280;
	s21 =	simm.s32 @!p1 $0x80;
	[sflag:s8] =	ssyncadd.s32 @!p1 $0xFFFFC000  }
0x3c: {  	[tilespmem:s10], [sflag:$0x1] =	stream.indirect.gather @!p1 [hbm4b:s2+s21], $0x80, s20, s21, $0xb8;
	[tilespmem:$0x15C00] =	vst v63  }
0x3d: {  	s5 =	sadd.s32 $0x2800, s9;
	s10 =	simm.s32 @p0 $0x8;
	_ =	swait.ge [sflag:s19], $0x4000  }
0x3e: {  	s21 =	simm.s32 @p0 $0x7;
	s20 =	simm.s32 $0x500;
	[sflag:s19] =	ssyncset.done $0x0  }
.LBB2_2:
0x3f: {  	p2 =	sne.s32 s1, $0x0;
	[sflag:s19] =	ssyncadd.s32 $0xFFFFC000;
	s8 =	smov.u32 s1  }
0x40: {  	[hbm4b:s7+s4] =	stream.linear.scatter [tilespmem:s15], [sflag:$0x9], $0x4000, $0x38;
	[tilespmem:$0x15C00] =	vst v63  }
0x41: {  	s23 =	simm.s32 @p0 $0x5;
	s24 =	simm.s32 @p0 $0x5C00;
	_ =	swait.ge @p0 [sflag:s21], $0x4000  }
0x42: {  	s22 =	sshra.s32 @p2 s8, $0x2;
	s7 =	smov.u32 s20;
	[sflag:s21] =	ssyncset.done @p0 $0x0  }
0x43: {  	s7 =	simm.s32 @!p2 $0x0;
	[sflag:s21] =	ssyncadd.s32 @p0 $0xFFFFC000;
	s21 =	simm.s32 @p0 $0x80  }
0x44: {  	[tilespmem:s24], [sflag:$0x2] =	stream.indirect.gather @p0 [hbm4b:s2+s21], $0x80, s0, s21, $0xb8;
	[tilespmem:$0x15C00] =	vst v63  }
0x45: {  	s0 =	sadd.s32 @p2 $0x80, s20;
	s24 =	sadd.s32 s6, s7;
	_ =	swait.ge @p0 [sflag:s23], $0x4000  }
0x46: {  	s0 =	simm.s32 @!p2 $0x80;
	s21 =	sshll.u32 s24, $0x4;
	[sflag:s23] =	ssyncset.done @p0 $0x0  }
0x47: {  	s24 =	simm.s32 @p0 $0x11C00;
	[sflag:s23] =	ssyncadd.s32 @p0 $0xFFFFC000;
	s23 =	simm.s32 @p0 $0x0  }
0x48: {  	[hbm4b:s5+s23] =	stream.linear.scatter @p0 [tilespmem:s24], [sflag:$0xA], $0x4000, $0x38;
	[tilespmem:$0x15C00] =	vst v63  }
0x49: {  	s22 =	sadd.s32 @p2 $0x80, s22;
	s0 =	sadd.s32 s6, s0;
	_ =	swait.ge @p0 [sflag:s10], $0x4000  }
0x4a: {  	s23 =	sshll.u32 s0, $0x4;
	s0 =	smov.u32 s22;
	[sflag:s10] =	ssyncset.done @p0 $0x0  }
0x4b: {  	s22 =	simm.s32 @!p0 $0x5C00;
	[sflag:s10] =	ssyncadd.s32 @p0 $0xFFFFC000;
	s10 =	simm.s32 @!p0 $0x80  }
0x4c: {  	[tilespmem:s22], [sflag:$0x2] =	stream.indirect.gather @!p0 [hbm4b:s2+s10], $0x80, s10, s10, $0xb8;
	[tilespmem:$0x15C00] =	vst v63  }
0x4d: {  	s22 =	sadd.s32 $0x100, s29  }
0x4e: {  	[tilespmem:s13], [sflag:$0x3] =	stream.indirect.gather [hbm4b:s2+s11], $0x80, s22, s11, $0xb8;
	[tilespmem:$0x15C00] =	vst v63  }
0x4f: {  	s24 =	sadd.s32 s3, s31;
	_ =	swait.ge [sflag:s14], $0x4000  }
0x50: {  	p0 =	por p2, p2;
	p2 =	seq.s32 s28, $0x0;
	[sflag:s14] =	ssyncset.done $0x0  }
0x51: {  	s10 =	sadd.s32 s6, s22;
	s22 =	simm.s32 @!p2 $0x9;
	[sflag:s14] =	ssyncadd.s32 $0xFFFFC000  }
0x52: {  	[hbm4b:s24+s4] =	stream.linear.scatter [tilespmem:s12], [sflag:$0x6], $0x4000, $0x38;
	[tilespmem:$0x15C00] =	vst v63  }
0x53: {  	_ =	swait.ge @!p2 [sflag:s22], $0x4000  }
0x54: {  	s31 =	smov.u32 s21;
	s21 =	sadd.s32 $0x180, s29;
	[sflag:s22] =	ssyncset.done @!p2 $0x0  }
0x55: {  	s24 =	sadd.s32 s6, s21;
	[sflag:s22] =	ssyncadd.s32 @!p2 $0xFFFFC000  }
0x56: {  	[tilespmem:s15], [sflag:$0x4] =	stream.indirect.gather [hbm4b:s2+s11], $0x80, s21, s11, $0xb8;
	[tilespmem:$0x15C00] =	vst v63  }
0x57: {  	s29 =	smov.u32 s7;
	s7 =	sshll.u32 s24, $0x4;
	_ =	swait.ge [sflag:s16], $0x4000  }
0x58: {  	s24 =	sadd.s32 s3, s30;
	s30 =	smov.u32 s23;
	[sflag:s16] =	ssyncset.done $0x0  }
0x59: {  	s23 =	simm.s32 @!p2 $0xA;
	s22 =	rddreg [dreg:$0x4];
	[sflag:s16] =	ssyncadd.s32 $0xFFFFC000  }
0x5a: {  	[hbm4b:s24+s4] =	stream.linear.scatter [tilespmem:s22], [sflag:$0x7], $0x4000, $0x38;
	[tilespmem:$0x15C00] =	vst v63  }
0x5b: {  	_ =	swait.ge @!p2 [sflag:s23], $0x4000  }
0x5c: {  	s24 =	sshra.s32 s28, $0x2;
	[sflag:s23] =	ssyncset.done @!p2 $0x0  }
0x5d: {  	s1 =	sadd.s32 $0xA00, s1;
	s21 =	sadd.s32 $0x200, s24;
	[sflag:s23] =	ssyncadd.s32 @!p2 $0xFFFFC000  }
0x5e: {  	[tilespmem:s17], [sflag:$0x5] =	stream.indirect.gather [hbm4b:s2+s11], $0x80, s21, s11, $0xb8;
	[tilespmem:$0x15C00] =	vst v63  }
0x5f: {  	p1 =	sne.s32 s1, $0x6400;
	s20 =	sadd.s32 $0x280, s20;
	_ =	swait.ge [sflag:s18], $0x4000  }
0x60: {  	s10 =	sshll.u32 s10, $0x4;
	p2 =	seq.s32 s28, $0x5A00;
	[sflag:s18] =	ssyncset.done $0x0  }
0x61: {  	s10 =	sadd.s32 s3, s10;
	s21 =	simm.s32 @!p2 $0x6;
	[sflag:s18] =	ssyncadd.s32 $0xFFFFC000  }
0x62: {  	[hbm4b:s10+s4] =	stream.linear.scatter [tilespmem:s13], [sflag:$0x8], $0x4000, $0x38;
	[tilespmem:$0x15C00] =	vst v63  }
0x63: {  	s5 =	sadd.s32 $0x2800, s5;
	s22 =	simm.s32 @!p2 $0x1C00;
	_ =	swait.ge @!p2 [sflag:s21], $0x4000  }
.Ltmp0:
0x64: {  	s10 =	sshra.s32 @!p2 s28, $0x2;
	[sflag:s21] =	ssyncset.done @!p2 $0x0;
	(pc) =	sbr.rel @p1 .LBB2_2-.Ltmp0, $4  }
0x65: {  	s23 =	simm.s32 @!p2 $0x80;
	s10 =	sadd.s32 @!p2 $0x280, s10;
	[sflag:s21] =	ssyncadd.s32 @!p2 $0xFFFFC000  }
0x66: {  	[tilespmem:s22], [sflag:$0x1] =	stream.indirect.gather @!p2 [hbm4b:s2+s23], $0x80, s10, s23, $0xb8;
	[tilespmem:$0x15C00] =	vst v63  }
0x67: {  	s7 =	sadd.s32 s3, s7;
	s28 =	smov.u32 s8;
	_ =	swait.ge [sflag:s19], $0x4000  }
0x68: {  	s21 =	simm.s32 @p0 $0x7;
	s10 =	simm.s32 @p0 $0x8;
	[sflag:s19] =	ssyncset.done $0x0  }
0x69: {  	[sflag:s19] =	ssyncadd.s32 $0xFFFFC000  }
0x6a: {  	[hbm4b:s7+s4] =	stream.linear.scatter [tilespmem:s15], [sflag:$0x9], $0x4000, $0x38;
	[tilespmem:$0x15C00] =	vst v63  }
0x6b: {  	_ =	swait.ge @p0 [sflag:s21], $0x4000  }
0x6c: {  	[sflag:s21] =	ssyncset.done @p0 $0x0  }
0x6d: {  	s1 =	simm.s32 @p0 $0x80;
	s7 =	simm.s32 @p0 $0x5C00;
	[sflag:s21] =	ssyncadd.s32 @p0 $0xFFFFC000  }
0x6e: {  	[tilespmem:s7], [sflag:$0x2] =	stream.indirect.gather @p0 [hbm4b:s2+s1], $0x80, s0, s1, $0xb8;
	[tilespmem:$0x15C00] =	vst v63  }
0x6f: {  	s0 =	simm.s32 @p0 $0x5  }
0x70: {  	_ =	swait.ge @p0 [sflag:s0], $0x4000  }
0x71: {  	[sflag:s0] =	ssyncset.done @p0 $0x0  }
0x72: {  	s1 =	simm.s32 @p0 $0x11C00;
	[sflag:s0] =	ssyncadd.s32 @p0 $0xFFFFC000;
	s0 =	simm.s32 @p0 $0x0  }
0x73: {  	[hbm4b:s5+s0] =	stream.linear.scatter @p0 [tilespmem:s1], [sflag:$0xA], $0x4000, $0x38;
	[tilespmem:$0x15C00] =	vst v63  }
0x74: {  	_ =	swait.ge @p0 [sflag:s10], $0x4000  }
0x75: {  	[sflag:s10] =	ssyncset.done @p0 $0x0  }
0x76: {  	s0 =	simm.s32 @!p0 $0x80;
	s1 =	simm.s32 @!p0 $0x5C00;
	[sflag:s10] =	ssyncadd.s32 @p0 $0xFFFFC000  }
0x77: {  	[tilespmem:s1], [sflag:$0x2] =	stream.indirect.gather @!p0 [hbm4b:s2+s0], $0x80, s0, s0, $0xb8;
	[tilespmem:$0x15C00] =	vst v63  }
0x78: {  	s23 =	sadd.s32 $0x100, s29  }
0x79: {  	[tilespmem:s13], [sflag:$0x3] =	stream.indirect.gather [hbm4b:s2+s11], $0x80, s23, s11, $0xb8;
	[tilespmem:$0x15C00] =	vst v63  }
0x7a: {  	_ =	swait.ge [sflag:s14], $0x4000  }
0x7b: {  	p0 =	seq.s32 s28, $0x0;
	[sflag:s14] =	ssyncset.done $0x0  }
0x7c: {  	s24 =	sadd.s32 s3, s31;
	s1 =	simm.s32 @!p0 $0x9;
	[sflag:s14] =	ssyncadd.s32 $0xFFFFC000  }
0x7d: {  	[hbm4b:s24+s4] =	stream.linear.scatter [tilespmem:s12], [sflag:$0x6], $0x4000, $0x38;
	[tilespmem:$0x15C00] =	vst v63  }
0x7e: {  	_ =	swait.ge @!p0 [sflag:s1], $0x4000  }
0x7f: {  	[sflag:s1] =	ssyncset.done @!p0 $0x0  }
0x80: {  	s31 =	sadd.s32 $0x180, s29;
	[sflag:s1] =	ssyncadd.s32 @!p0 $0xFFFFC000  }
0x81: {  	[tilespmem:s15], [sflag:$0x4] =	stream.indirect.gather [hbm4b:s2+s11], $0x80, s31, s11, $0xb8;
	[tilespmem:$0x15C00] =	vst v63  }
0x82: {  	_ =	swait.ge [sflag:s16], $0x4000  }
0x83: {  	s8 =	sadd.s32 s3, s30;
	[sflag:s16] =	ssyncset.done $0x0  }
0x84: {  	s1 =	simm.s32 @!p0 $0xA;
	s7 =	rddreg [dreg:$0x4];
	[sflag:s16] =	ssyncadd.s32 $0xFFFFC000  }
0x85: {  	[hbm4b:s8+s4] =	stream.linear.scatter [tilespmem:s7], [sflag:$0x7], $0x4000, $0x38;
	[tilespmem:$0x15C00] =	vst v63  }
0x86: {  	_ =	swait.ge @!p0 [sflag:s1], $0x4000  }
0x87: {  	s10 =	sshra.s32 s28, $0x2;
	[sflag:s1] =	ssyncset.done @!p0 $0x0  }
0x88: {  	s20 =	sadd.s32 $0x200, s10;
	[sflag:s1] =	ssyncadd.s32 @!p0 $0xFFFFC000  }
0x89: {  	[tilespmem:s17], [sflag:$0x5] =	stream.indirect.gather [hbm4b:s2+s11], $0x80, s20, s11, $0xb8;
	[tilespmem:$0x15C00] =	vst v63  }
0x8a: {  	s0 =	sadd.s32 s6, s23;
	_ =	swait.ge [sflag:s18], $0x4000  }
0x8b: {  	s0 =	sshll.u32 s0, $0x4;
	p0 =	seq.s32 s28, $0x5A00;
	[sflag:s18] =	ssyncset.done $0x0  }
0x8c: {  	s0 =	sadd.s32 s3, s0;
	s1 =	simm.s32 @!p0 $0x6;
	[sflag:s18] =	ssyncadd.s32 $0xFFFFC000  }
0x8d: {  	[hbm4b:s0+s4] =	stream.linear.scatter [tilespmem:s13], [sflag:$0x8], $0x4000, $0x38;
	[tilespmem:$0x15C00] =	vst v63  }
0x8e: {  	_ =	swait.ge @!p0 [sflag:s1], $0x4000  }
0x8f: {  	s7 =	simm.s32 @!p0 $0x1C00;
	s0 =	sshra.s32 @!p0 s28, $0x2;
	[sflag:s1] =	ssyncset.done @!p0 $0x0  }
0x90: {  	s0 =	sadd.s32 @!p0 $0x280, s0;
	[sflag:s1] =	ssyncadd.s32 @!p0 $0xFFFFC000;
	s1 =	simm.s32 @!p0 $0x80  }
0x91: {  	[tilespmem:s7], [sflag:$0x1] =	stream.indirect.gather @!p0 [hbm4b:s2+s1], $0x80, s0, s1, $0xb8;
	[tilespmem:$0x15C00] =	vst v63  }
0x92: {  	s21 =	sadd.s32 s6, s31;
	_ =	swait.ge [sflag:s19], $0x4000  }
0x93: {  	s0 =	sshll.u32 s21, $0x4;
	[sflag:s19] =	ssyncset.done $0x0  }
0x94: {  	s22 =	simm.s32 $0x5;
	s0 =	sadd.s32 s3, s0;
	[sflag:s19] =	ssyncadd.s32 $0xFFFFC000  }
0x95: {  	[hbm4b:s0+s4] =	stream.linear.scatter [tilespmem:s15], [sflag:$0x9], $0x4000, $0x38;
	[tilespmem:$0x15C00] =	vst v63  }
0x96: {  	_ =	swait.ge [sflag:s22], $0x4000  }
0x97: {  	[sflag:s22] =	ssyncset.done $0x0  }
0x98: {  	s24 =	simm.s32 $0x6;
	s23 =	rddreg [dreg:$0x6];
	[sflag:s22] =	ssyncadd.s32 $0xFFFFC000  }
0x99: {  	[hbm4b:s23+s4] =	stream.linear.scatter [tilespmem:s17], [sflag:$0xA], $0x4000, $0x38;
	[tilespmem:$0x15C00] =	vst v63  }
0x9a: {  	_ =	swait.ge [sflag:s24], $0x4000  }
0x9b: {  	[sflag:s24] =	ssyncset.done $0x0  }
0x9c: {  	s28 =	simm.s32 $0x7;
	[sflag:s24] =	ssyncadd.s32 $0xFFFFC000  }
0x9d: {  	_ =	swait.ge [sflag:s28], $0x4000  }
0x9e: {  	[sflag:s28] =	ssyncset.done $0x0  }
0x9f: {  	s29 =	simm.s32 $0x8;
	[sflag:s28] =	ssyncadd.s32 $0xFFFFC000  }
0xa0: {  	_ =	swait.ge [sflag:s29], $0x4000  }
0xa1: {  	[sflag:s29] =	ssyncset.done $0x0  }
0xa2: {  	s30 =	simm.s32 $0x9;
	[sflag:s29] =	ssyncadd.s32 $0xFFFFC000  }
0xa3: {  	_ =	swait.ge [sflag:s30], $0x4000  }
0xa4: {  	[sflag:s30] =	ssyncset.done $0x0  }
0xa5: {  	[sflag:s30] =	ssyncadd.s32 $0xFFFFC000  }
0xa6: {  	_ =	swait.ge [sflag:s25], $0x4000  }
0xa7: {  	s26 =	sadd.s32 $0x1, s26;
	s31 =	rddreg [dreg:$0x7]  }
0xa8: {  	p0 =	sne.s32 s26, s31  }
.Ltmp1:
0xa9: {  	_ = 	snop;
	(pc) =	sbr.rel @p0 .LBB2_1-.Ltmp1, $3  }
0xaa: {  	_ =	sdelay $0x1  }
0xab: {  	[sflag:s25] =	ssyncset.done $0x0  }
0xac: {  	[sflag:s25] =	ssyncadd.s32 $0xFFFFC000  }
0xad: {  	_ =	sfence.sel $0x180000  }
0xae: {  	[bflag:$0x0] =	sbarrier.arrive $0xFFFF  }
0xaf: {  	_ =	strace $0x90000047  }
0xb0: {  	s0 =	stileid.u32;
	[bflag:$0x2] =	sbarrier.arrive $0xFFFF  }
0xb1: {  	p0 =	sne.s32 s0, $0x0;
	s0 =	rddreg [dreg:$0x3]  }
0xb2: {  	s0 =	sadd.s32 @!p0 $0x100000, s0  }
0xb3: {  	[sflag:s0] =	ssyncadd.tile.s32 @!p0 $0x1;
	_ =	shalt  }
.Lfunc_end2:
_tile_overlayer_lowered:
.L_overlay_start_2:
0xb4: {  	(tag) =	ssettag $0x2  }
0xb5: {  	s0 =	rddreg [dreg:$0x0];
	s2 =	stileid.u32  }
0xb6: {  	s1 =	rddreg [dreg:$0x1];
	p0 =	sne.s32 s2, $0x0  }
0xb7: {  	s3 =	rddreg [dreg:$0x2];
	[bflag:$0x3] =	sbarrier.arrive $0xFFFF;
	s2 =	simm.s32 @!p0 $0x1C0B  }
0xb8: {  	[timem:s3], [sflag:s2] =	dma.local @!p0 [hbm:s0], s1  }
0xb9: {  	s0 =	simm.s32 @!p0 $0xB  }
0xba: {  	_ =	swait.ge @!p0 [sflag:s0], s1  }
0xbb: {  	s1 =	ssub.s32 @!p0 $0x0, s1;
	[sflag:s0] =	ssyncset.done @!p0 $0x0  }
0xbc: {  	[sflag:s0] =	ssyncadd.s32 @!p0 s1  }
0xbd: {  	[bflag:$0x3] =	sbarrier.arrive $0xFFFF  }
0xbe: {  	_ =	shalt  }

</sc_bundles>
